<compile_context>
chip_gen: v7x
topology: tpu7x:2x2x1
jax: 0.10.2.dev20260603
libtpu: 0.0.44.dev20260713+nightly
codegen_flags: <defaults>
</compile_context>

<pallas_src>
import functools

import jax
import jax.numpy as jnp
from jax import lax
from jax.experimental import pallas as pl
from jax.experimental.pallas import tpu as pltpu
from jax.experimental.pallas import tpu_sc as plsc

_NC = 2
_NS = 16
_B = 128
_IBLK = 8


def _sc_degree(cidx, npad, c0, c1):
    mesh = plsc.VectorSubcoreMesh(core_axis_name="c", subcore_axis_name="s")
    lanes = 16

    @functools.partial(
        pl.kernel,
        out_type=jax.ShapeDtypeStruct((_NC, _NS, npad), jnp.float32),
        mesh=mesh,
        compiler_params=pltpu.CompilerParams(needs_layout_passes=False),
        scratch_types=[
            pltpu.VMEM((c0, _B), jnp.int32),
            pltpu.VMEM((npad,), jnp.float32),
        ],
    )
    def deg_kernel(cidx_hbm, out_hbm, cidx_vm, degv):
        c = lax.axis_index("c")
        s = lax.axis_index("s")
        base = jnp.where(c == 0, s * c0, _NS * c0 + s * c1)
        mycd = jnp.where(c == 0, c0, c1)
        pltpu.sync_copy(cidx_hbm.at[pl.ds(base, c0)], cidx_vm)
        zeros16 = jnp.zeros((lanes,), jnp.float32)
        ones16 = jnp.ones((lanes,), jnp.float32)

        def zbody(i, carry):
            degv[pl.ds(i * lanes, lanes)] = zeros16
            return carry

        lax.fori_loop(0, npad // lanes, zbody, 0)

        def body(j, carry):
            def inner(kk, carry2):
                idx = cidx_vm[j, pl.ds(kk * lanes, lanes)]
                plsc.addupdate_scatter(degv, [idx], ones16)
                return carry2

            lax.fori_loop(0, _B // lanes, inner, 0)
            return carry

        lax.fori_loop(0, mycd, body, 0)
        pltpu.sync_copy(degv, out_hbm.at[c, s])

    return deg_kernel(cidx)


def _sc_aggregate(y, eidx, zeros_v, npad, ch0, ch1, d):
    stripe = npad // _NS
    mesh = plsc.VectorSubcoreMesh(core_axis_name="c", subcore_axis_name="s")

    @functools.partial(
        pl.kernel,
        out_type=jax.ShapeDtypeStruct((_NC, npad, d), jnp.float32),
        mesh=mesh,
        scratch_types=[
            pltpu.VMEM((ch0, 2, _B), jnp.int32),
            pltpu.VMEM((_B, d), jnp.float32),
            pltpu.VMEM_SHARED((npad, d), jnp.float32),
            pltpu.SemaphoreType.DMA,
        ],
    )
    def agg_kernel(y_hbm, eidx_hbm, z_hbm, out_hbm, idxv, gbuf, acc, sem):
        c = lax.axis_index("c")
        s = lax.axis_index("s")
        mych = jnp.where(c == 0, ch0, ch1)

        @pl.when(c == 0)
        def _():
            pltpu.sync_copy(eidx_hbm.at[pl.ds(s * ch0, ch0)], idxv)

        @pl.when(c != 0)
        def _():
            pltpu.sync_copy(eidx_hbm.at[pl.ds(_NS * ch0 + s * ch1, ch1)],
                            idxv.at[pl.ds(0, ch1)])

        pltpu.sync_copy(z_hbm, acc.at[pl.ds(s * stripe, stripe)])
        plsc.subcore_barrier()

        def body(m, carry):
            pltpu.async_copy(y_hbm.at[idxv.at[m, 0]], gbuf, sem).wait()
            pltpu.sync_copy(gbuf, acc.at[idxv.at[m, 1]], add=True)
            return carry

        lax.fori_loop(0, mych, body, 0)
        plsc.subcore_barrier()
        pltpu.sync_copy(acc.at[pl.ds(s * stripe, stripe)],
                        out_hbm.at[c, pl.ds(s * stripe, stripe)])

    return agg_kernel(y, eidx, zeros_v)


def _tc_transform(x, w, degparts, b_conv, bias, blk):
    n, d_in = x.shape
    d = w.shape[1]

    def body(x_ref, w_ref, dp_ref, b1_ref, b2_ref, y_ref, self_ref):
        xw = jnp.dot(x_ref[...], w_ref[...], preferred_element_type=jnp.float32)
        deg = 1.0 + jnp.sum(dp_ref[...], axis=1)
        dinv = lax.rsqrt(deg)[:, None]
        y_ref[...] = dinv * xw
        self_ref[...] = (dinv * dinv) * xw + b1_ref[...] + b2_ref[...]

    return pl.pallas_call(
        body,
        grid=(n // blk,),
        in_specs=[
            pl.BlockSpec((blk, d_in), lambda i: (i, 0)),
            pl.BlockSpec((d_in, d), lambda i: (0, 0)),
            pl.BlockSpec((blk, _NC * _NS), lambda i: (i, 0)),
            pl.BlockSpec((1, d), lambda i: (0, 0)),
            pl.BlockSpec((1, d), lambda i: (0, 0)),
        ],
        out_specs=[pl.BlockSpec((blk, d), lambda i: (i, 0)),
                   pl.BlockSpec((blk, d), lambda i: (i, 0))],
        out_shape=[jax.ShapeDtypeStruct((n, d), jnp.float32),
                   jax.ShapeDtypeStruct((n, d), jnp.float32)],
    )(x, w, degparts, b_conv.reshape(1, d), bias.reshape(1, d))


def _tc_combine(accparts, degparts, selfterm, blk):
    n, d = selfterm.shape

    def body(a_ref, dp_ref, s_ref, o_ref):
        a = a_ref[...]
        deg = 1.0 + jnp.sum(dp_ref[...], axis=1)
        o_ref[...] = lax.rsqrt(deg)[:, None] * (a[0] + a[1]) + s_ref[...]

    return pl.pallas_call(
        body,
        grid=(n // blk,),
        in_specs=[
            pl.BlockSpec((_NC, blk, d), lambda i: (0, i, 0)),
            pl.BlockSpec((blk, _NC * _NS), lambda i: (i, 0)),
            pl.BlockSpec((blk, d), lambda i: (i, 0)),
        ],
        out_specs=pl.BlockSpec((blk, d), lambda i: (i, 0)),
        out_shape=jax.ShapeDtypeStruct((n, d), jnp.float32),
    )(accparts, degparts, selfterm)


def kernel(input, adj, W_conv, b_conv, bias):
    x = input
    n, d_in = x.shape
    d = W_conv.shape[1]
    e = adj.shape[1]

    nb = -(-e // _B)
    unit = 2 * _IBLK
    ch0 = -(-(nb * 57) // (80 * _NS))
    ch0 = -(-ch0 // unit) * unit
    ch1 = -(-max(0, nb - _NS * ch0) // _NS)
    ch1 = max(unit, -(-ch1 // unit) * unit)
    nbp = _NS * (ch0 + ch1)
    epad = nbp * _B
    c0d = -(-(-(-(nb * 2) // (3 * _NS))) // 8) * 8
    c1d = -(-max(0, nb - _NS * c0d) // _NS)
    c1d = max(8, -(-c1d // 8) * 8)
    nbd = _NS * c0d + (_NS - 1) * c1d + c0d
    epad_deg = nbd * _B

    stripe = -(-(n + 8) // _NS)
    stripe = -(-stripe // 8) * 8
    npad = stripe * _NS
    blk = 1000 if n % 1000 == 0 else n

    row = adj[0]
    col = adj[1]
    rowp = jnp.concatenate([row, jnp.zeros((epad - e,), jnp.int32)])
    colp = jnp.concatenate([col, jnp.full((epad - e,), n, jnp.int32)])
    eidx = jnp.stack([rowp.reshape(nbp, _B), colp.reshape(nbp, _B)], axis=1)
    cidx_deg = jnp.concatenate(
        [col, jnp.full((epad_deg - e,), n, jnp.int32)]
    ).reshape(nbd, _B)

    zacc = jnp.zeros((stripe, d), jnp.float32)

    degparts = _sc_degree(cidx_deg, npad, c0d, c1d).reshape(_NC * _NS, npad).T
    y, selfterm = _tc_transform(x, W_conv, degparts, b_conv, bias, blk)
    accparts = _sc_aggregate(y, eidx, zacc, npad, ch0, ch1, d)
    return _tc_combine(accparts, degparts, selfterm, blk)

# --- scband reference (transcript-rebuilt; emitter-appended) ---
"""Pipeline reference for scband-graph-convolution-bs-73177652789273 (READ-ONLY COPY).

The authoritative reference and input builder live on the scoring server;
editing this copy changes nothing except your own understanding.
"""

import jax, jax.numpy as jnp
import numpy as np

N = 10000
E = 320000
D_IN = 128
D_OUT = 128


def setup_inputs(seed: int = 0) -> dict:
    key = jax.random.key(seed)
    k1, k2, k3, k4 = jax.random.split(key, 4)
    x = jax.random.normal(k1, (N, D_IN), dtype=jnp.float32)
    adj = jax.random.randint(k2, (2, E), 0, N, dtype=jnp.int32)
    # GCNConv weight: glorot uniform, shape [in, out]; conv bias: zeros
    lim = float(np.sqrt(6.0 / (D_IN + D_OUT)))
    W_conv = jax.random.uniform(k3, (D_IN, D_OUT), minval=-lim, maxval=lim, dtype=jnp.float32)
    b_conv = jnp.zeros((D_OUT,), dtype=jnp.float32)
    # module-level bias: uniform(-stdv, stdv), stdv = 1/sqrt(out_features)
    stdv = 1.0 / np.sqrt(D_OUT)
    bias = jax.random.uniform(k4, (D_OUT,), minval=-stdv, maxval=stdv, dtype=jnp.float32)
    return {"input": x, "adj": adj, "W_conv": W_conv, "b_conv": b_conv, "bias": bias}


def reference(input, adj, W_conv, b_conv, bias):
    # GCNConv (PyG default): add self-loops, symmetric normalization
    n = input.shape[0]
    row = adj[0]
    col = adj[1]
    loop = jnp.arange(n, dtype=adj.dtype)
    row = jnp.concatenate([row, loop])
    col = jnp.concatenate([col, loop])
    ew = jnp.ones((row.shape[0],), dtype=input.dtype)
    deg = jnp.zeros((n,), dtype=input.dtype).at[col].add(ew)
    deg_inv_sqrt = jnp.where(deg > 0, 1.0 / jnp.sqrt(deg), 0.0)
    norm = deg_inv_sqrt[row] * ew * deg_inv_sqrt[col]
    xw = input @ W_conv
    msg = norm[:, None] * jnp.take(xw, row, axis=0)
    out = jnp.zeros((n, xw.shape[1]), dtype=xw.dtype).at[col].add(msg)
    out = out + b_conv  # GCNConv internal bias
    out = out + bias    # module-level bias (self_weight=None, bn=None, res=False)
    return out          # sigma is identity (default activation)

if __name__ == "__main__":
    import jax
    _d = setup_inputs()
    print(jax.jit(kernel)(*tuple(_d.values())))

</pallas_src>

<mosaic_0001>
#map = affine_map<(d0, d1) -> (0, 0)>
#map1 = affine_map<(d0, d1) -> (0, 0, 0)>
module attributes {stable_mosaic.version = 14 : i64} {
  func.func @deg_kernel(%arg0: i32, %arg1: i32, %arg2: memref<2624x128xi32, #tpu.memory_space<hbm>>, %arg3: memref<2x16x10112xf32, #tpu.memory_space<hbm>>, %arg4: memref<112x128xi32, #tpu.memory_space<vmem>>, %arg5: memref<10112xf32, #tpu.memory_space<vmem>>) attributes {dimension_semantics = [#tpu.dimension_semantics<core_parallel>, #tpu.dimension_semantics<subcore_parallel>], iteration_bounds = array<i64: 2, 16>, scalar_prefetch = 0 : i64, scratch_operands = 2 : i64, tpu.core_type = #tpu.core_type<sc_vector_subcore>, window_params = [{transform_indices = #map}, {transform_indices = #map1}]} {
    %eq3A = arith.constant 0 : i32
    %eq3A_0 = arith.cmpi eq, %arg0, %eq3A : i32
    %mul3A = arith.constant 112 : i32
    %mul3A_1 = arith.muli %arg1, %mul3A : i32
    %mul3A_2 = arith.constant 48 : i32
    %mul3A_3 = arith.muli %arg1, %mul3A_2 : i32
    %add3A = arith.constant 1792 : i32
    %add3A_4 = arith.addi %add3A, %mul3A_3 : i32
    %select_n3A = arith.select %eq3A_0, %mul3A_1, %add3A_4 : i32
    %eq3A_5 = arith.constant 0 : i32
    %eq3A_6 = arith.cmpi eq, %arg0, %eq3A_5 : i32
    %jit3A = arith.constant 112 : i32
    %jit3A_7 = arith.constant 48 : i32
    %select_n3A_8 = arith.select %eq3A_6, %jit3A, %jit3A_7 : i32
    "tpu.region"() ({
      %run_scoped3A = tpu.sem_alloc : memref<!tpu.dma_semaphore, #tpu.memory_space<semaphore_mem>>
      %dma_start3A = arith.constant 0 : i32
      %dma_start3A_26 = tpu.memref_slice %arg2[%select_n3A, %dma_start3A] : memref<2624x128xi32, #tpu.memory_space<hbm>> -> memref<112x128xi32, #tpu.memory_space<hbm>>
      %dma_start3A_27 = arith.constant 0 : i32
      %dma_start3A_28 = tpu.memref_slice %arg2[%select_n3A, %dma_start3A_27] : memref<2624x128xi32, #tpu.memory_space<hbm>> -> memref<112x128xi32, #tpu.memory_space<hbm>>
      tpu.enqueue_dma source(%dma_start3A_28 : memref<112x128xi32, #tpu.memory_space<hbm>>) target(%arg4 : memref<112x128xi32, #tpu.memory_space<vmem>>) target_semaphore(%run_scoped3A : memref<!tpu.dma_semaphore, #tpu.memory_space<semaphore_mem>>)
      %dma_wait3A = arith.constant 0 : i32
      %dma_wait3A_29 = tpu.memref_slice %arg2[%select_n3A, %dma_wait3A] : memref<2624x128xi32, #tpu.memory_space<hbm>> -> memref<112x128xi32, #tpu.memory_space<hbm>>
      %dma_wait3A_30 = arith.constant 0 : i32
      %dma_wait3A_31 = tpu.memref_slice %arg2[%select_n3A, %dma_wait3A_30] : memref<2624x128xi32, #tpu.memory_space<hbm>> -> memref<112x128xi32, #tpu.memory_space<hbm>>
      tpu.wait_dma2 semaphore(%run_scoped3A : memref<!tpu.dma_semaphore, #tpu.memory_space<semaphore_mem>>) src(%dma_wait3A_31 : memref<112x128xi32, #tpu.memory_space<hbm>>) dst(%arg4 : memref<112x128xi32, #tpu.memory_space<vmem>>)
      tpu.yield
    }) : () -> ()
    %broadcast_in_dim3A = arith.constant 0.000000e+00 : f32
    %broadcast_in_dim3A_9 = vector.broadcast %broadcast_in_dim3A : f32 to vector<16xf32>
    %broadcast_in_dim3A_10 = arith.constant 1.000000e+00 : f32
    %broadcast_in_dim3A_11 = vector.broadcast %broadcast_in_dim3A_10 : f32 to vector<16xf32>
    %scan3A = arith.constant 0 : i32
    %scan3A_12 = arith.constant 0 : i32
    %scan3A_13 = arith.constant 632 : i32
    %scan3A_14 = arith.addi %scan3A_12, %scan3A_13 : i32
    %scan3A_15 = arith.constant 1 : i32
    scf.for %scan3A_26 = %scan3A_12 to %scan3A_14 step %scan3A_15  : i32 {
      %mul3A_27 = arith.constant 16 : i32
      %mul3A_28 = arith.muli %scan3A_26, %mul3A_27 : i32
      %swap3A = arith.index_cast %mul3A_28 : i32 to index
      %swap3A_29 = tpu.vector_load %arg5[%swap3A] {strides = array<i32>} : memref<10112xf32, #tpu.memory_space<vmem>>, vector<16xf32>,
      tpu.vector_store %arg5[%swap3A], %broadcast_in_dim3A_9 {strides = array<i32>} : memref<10112xf32, #tpu.memory_space<vmem>>, vector<16xf32>,
    }
    %scan3A_16 = arith.constant 632 : i32
    %while3A = arith.constant 0 : i32
    %while3A_17 = arith.constant 0 : i32
    %while3A_18 = arith.subi %select_n3A_8, %while3A_17 : i32
    %while3A_19 = arith.addi %while3A_17, %while3A_18 : i32
    %while3A_20 = arith.constant 1 : i32
    %while3A_21 = arith.divsi %while3A_18, %while3A_20 : i32
    %while3A_22 = arith.muli %while3A_21, %while3A_20 : i32
    %while3A_23 = arith.addi %while3A_17, %while3A_22 : i32
    %while3A_24 = arith.constant 1 : i32
    scf.for %while3A_26 = %while3A_17 to %while3A_23 step %while3A_24  : i32 {
      %scan3A_27 = arith.constant 0 : i32
      %scan3A_28 = arith.constant 0 : i32
      %scan3A_29 = arith.constant 8 : i32
      %scan3A_30 = arith.addi %scan3A_28, %scan3A_29 : i32
      %scan3A_31 = arith.constant 1 : i32
      scf.for %scan3A_33 = %scan3A_28 to %scan3A_30 step %scan3A_31  : i32 {
        %mul3A_34 = arith.constant 16 : i32
        %mul3A_35 = arith.muli %scan3A_33, %mul3A_34 : i32
        %get3A = arith.index_cast %while3A_26 : i32 to index
        %get3A_36 = arith.index_cast %mul3A_35 : i32 to index
        %get3A_37 = tpu.vector_load %arg4[%get3A, %get3A_36] {strides = array<i32>} : memref<112x128xi32, #tpu.memory_space<vmem>>, vector<16xi32>,
        tpu.vector_store_idx %arg5[%get3A_37], %broadcast_in_dim3A_11 {add = true} : memref<10112xf32, #tpu.memory_space<vmem>>[vector<16xi32>], vector<16xf32>,
      }
      %scan3A_32 = arith.constant 8 : i32
    }
    %while3A_25 = arith.constant 1 : i32
    scf.for %while3A_26 = %while3A_23 to %while3A_19 step %while3A_25  : i32 {
      %scan3A_27 = arith.constant 0 : i32
      %scan3A_28 = arith.constant 0 : i32
      %scan3A_29 = arith.constant 8 : i32
      %scan3A_30 = arith.addi %scan3A_28, %scan3A_29 : i32
      %scan3A_31 = arith.constant 1 : i32
      scf.for %scan3A_33 = %scan3A_28 to %scan3A_30 step %scan3A_31  : i32 {
        %mul3A_34 = arith.constant 16 : i32
        %mul3A_35 = arith.muli %scan3A_33, %mul3A_34 : i32
        %get3A = arith.index_cast %while3A_26 : i32 to index
        %get3A_36 = arith.index_cast %mul3A_35 : i32 to index
        %get3A_37 = tpu.vector_load %arg4[%get3A, %get3A_36] {strides = array<i32>} : memref<112x128xi32, #tpu.memory_space<vmem>>, vector<16xi32>,
        tpu.vector_store_idx %arg5[%get3A_37], %broadcast_in_dim3A_11 {add = true} : memref<10112xf32, #tpu.memory_space<vmem>>[vector<16xi32>], vector<16xf32>,
      }
      %scan3A_32 = arith.constant 8 : i32
    }
    "tpu.region"() ({
      %run_scoped3A = tpu.sem_alloc : memref<!tpu.dma_semaphore, #tpu.memory_space<semaphore_mem>>
      %dma_start3A = arith.constant 0 : i32
      %dma_start3A_26 = tpu.memref_slice %arg3[%arg0, %arg1, %dma_start3A] : memref<2x16x10112xf32, #tpu.memory_space<hbm>> -> memref<1x1x10112xf32, #tpu.memory_space<hbm>>
      %dma_start3A_27 = tpu.memref_squeeze %dma_start3A_26 : memref<1x1x10112xf32, #tpu.memory_space<hbm>> -> memref<10112xf32, #tpu.memory_space<hbm>>
      %dma_start3A_28 = arith.constant 0 : i32
      %dma_start3A_29 = tpu.memref_slice %arg3[%arg0, %arg1, %dma_start3A_28] : memref<2x16x10112xf32, #tpu.memory_space<hbm>> -> memref<1x1x10112xf32, #tpu.memory_space<hbm>>
      %dma_start3A_30 = tpu.memref_squeeze %dma_start3A_29 : memref<1x1x10112xf32, #tpu.memory_space<hbm>> -> memref<10112xf32, #tpu.memory_space<hbm>>
      tpu.enqueue_dma source(%arg5 : memref<10112xf32, #tpu.memory_space<vmem>>) target(%dma_start3A_30 : memref<10112xf32, #tpu.memory_space<hbm>>) target_semaphore(%run_scoped3A : memref<!tpu.dma_semaphore, #tpu.memory_space<semaphore_mem>>)
      %dma_wait3A = arith.constant 0 : i32
      %dma_wait3A_31 = tpu.memref_slice %arg3[%arg0, %arg1, %dma_wait3A] : memref<2x16x10112xf32, #tpu.memory_space<hbm>> -> memref<1x1x10112xf32, #tpu.memory_space<hbm>>
      %dma_wait3A_32 = tpu.memref_squeeze %dma_wait3A_31 : memref<1x1x10112xf32, #tpu.memory_space<hbm>> -> memref<10112xf32, #tpu.memory_space<hbm>>
      %dma_wait3A_33 = arith.constant 0 : i32
      %dma_wait3A_34 = tpu.memref_slice %arg3[%arg0, %arg1, %dma_wait3A_33] : memref<2x16x10112xf32, #tpu.memory_space<hbm>> -> memref<1x1x10112xf32, #tpu.memory_space<hbm>>
      %dma_wait3A_35 = tpu.memref_squeeze %dma_wait3A_34 : memref<1x1x10112xf32, #tpu.memory_space<hbm>> -> memref<10112xf32, #tpu.memory_space<hbm>>
      tpu.wait_dma2 semaphore(%run_scoped3A : memref<!tpu.dma_semaphore, #tpu.memory_space<semaphore_mem>>) src(%arg5 : memref<10112xf32, #tpu.memory_space<vmem>>) dst(%dma_wait3A_35 : memref<10112xf32, #tpu.memory_space<hbm>>)
      tpu.yield
    }) : () -> ()
    return
  }
}

#map = affine_map<(d0, d1) -> (0, 0)>
#map1 = affine_map<(d0, d1) -> (0, 0, 0)>
module attributes {stable_mosaic.version = 14 : i64} {
  func.func @agg_kernel(%arg0: i32, %arg1: i32, %arg2: memref<10000x128xf32, #tpu.memory_space<hbm>>, %arg3: memref<2560x2x128xi32, #tpu.memory_space<hbm>>, %arg4: memref<632x128xf32, #tpu.memory_space<hbm>>, %arg5: memref<2x10112x128xf32, #tpu.memory_space<hbm>>, %arg6: memref<112x2x128xi32, #tpu.memory_space<vmem>>, %arg7: memref<128x128xf32, #tpu.memory_space<vmem>>, %arg8: memref<10112x128xf32, #tpu.memory_space<vmem_shared>>, %arg9: memref<!tpu.dma_semaphore, #tpu.memory_space<semaphore_mem>>) attributes {dimension_semantics = [#tpu.dimension_semantics<core_parallel>, #tpu.dimension_semantics<subcore_parallel>], iteration_bounds = array<i64: 2, 16>, scalar_prefetch = 0 : i64, scratch_operands = 4 : i64, tpu.core_type = #tpu.core_type<sc_vector_subcore>, window_params = [{transform_indices = #map}, {transform_indices = #map1}, {transform_indices = #map}, {transform_indices = #map1}]} {
    %eq3A = arith.constant 0 : i32
    %eq3A_0 = arith.cmpi eq, %arg0, %eq3A : i32
    %jit3A = arith.constant 112 : i32
    %jit3A_1 = arith.constant 48 : i32
    %select_n3A = arith.select %eq3A_0, %jit3A, %jit3A_1 : i32
    %eq3A_2 = arith.constant 0 : i32
    %eq3A_3 = arith.cmpi eq, %arg0, %eq3A_2 : i32
    %convert_element_type3A = arith.extui %eq3A_3 : i1 to i32
    %cond3A = arith.constant 0 : i32
    %cond3A_4 = arith.cmpi ne, %convert_element_type3A, %cond3A : i32
    scf.if %cond3A_4 {
      %mul3A_24 = arith.constant 112 : i32
      %mul3A_25 = arith.muli %arg1, %mul3A_24 : i32
      "tpu.region"() ({
        %run_scoped3A = tpu.sem_alloc : memref<!tpu.dma_semaphore, #tpu.memory_space<semaphore_mem>>
        %dma_start3A = arith.constant 0 : i32
        %dma_start3A_26 = arith.constant 0 : i32
        %dma_start3A_27 = tpu.memref_slice %arg3[%mul3A_25, %dma_start3A, %dma_start3A_26] : memref<2560x2x128xi32, #tpu.memory_space<hbm>> -> memref<112x2x128xi32, #tpu.memory_space<hbm>>
        %dma_start3A_28 = arith.constant 0 : i32
        %dma_start3A_29 = arith.constant 0 : i32
        %dma_start3A_30 = tpu.memref_slice %arg3[%mul3A_25, %dma_start3A_28, %dma_start3A_29] : memref<2560x2x128xi32, #tpu.memory_space<hbm>> -> memref<112x2x128xi32, #tpu.memory_space<hbm>>
        tpu.enqueue_dma source(%dma_start3A_30 : memref<112x2x128xi32, #tpu.memory_space<hbm>>) target(%arg6 : memref<112x2x128xi32, #tpu.memory_space<vmem>>) target_semaphore(%run_scoped3A : memref<!tpu.dma_semaphore, #tpu.memory_space<semaphore_mem>>)
        %dma_wait3A = arith.constant 0 : i32
        %dma_wait3A_31 = arith.constant 0 : i32
        %dma_wait3A_32 = tpu.memref_slice %arg3[%mul3A_25, %dma_wait3A, %dma_wait3A_31] : memref<2560x2x128xi32, #tpu.memory_space<hbm>> -> memref<112x2x128xi32, #tpu.memory_space<hbm>>
        %dma_wait3A_33 = arith.constant 0 : i32
        %dma_wait3A_34 = arith.constant 0 : i32
        %dma_wait3A_35 = tpu.memref_slice %arg3[%mul3A_25, %dma_wait3A_33, %dma_wait3A_34] : memref<2560x2x128xi32, #tpu.memory_space<hbm>> -> memref<112x2x128xi32, #tpu.memory_space<hbm>>
        tpu.wait_dma2 semaphore(%run_scoped3A : memref<!tpu.dma_semaphore, #tpu.memory_space<semaphore_mem>>) src(%dma_wait3A_35 : memref<112x2x128xi32, #tpu.memory_space<hbm>>) dst(%arg6 : memref<112x2x128xi32, #tpu.memory_space<vmem>>)
        tpu.yield
      }) : () -> ()
    } else {
    }
    %ne3A = arith.constant 0 : i32
    %ne3A_5 = arith.cmpi ne, %arg0, %ne3A : i32
    %convert_element_type3A_6 = arith.extui %ne3A_5 : i1 to i32
    %cond3A_7 = arith.constant 0 : i32
    %cond3A_8 = arith.cmpi ne, %convert_element_type3A_6, %cond3A_7 : i32
    scf.if %cond3A_8 {
      %mul3A_24 = arith.constant 48 : i32
      %mul3A_25 = arith.muli %arg1, %mul3A_24 : i32
      %add3A = arith.constant 1792 : i32
      %add3A_26 = arith.addi %add3A, %mul3A_25 : i32
      "tpu.region"() ({
        %run_scoped3A = tpu.sem_alloc : memref<!tpu.dma_semaphore, #tpu.memory_space<semaphore_mem>>
        %dma_start3A = arith.constant 0 : i32
        %dma_start3A_27 = arith.constant 0 : i32
        %dma_start3A_28 = arith.constant 0 : i32
        %dma_start3A_29 = tpu.memref_slice %arg6[%dma_start3A, %dma_start3A_27, %dma_start3A_28] : memref<112x2x128xi32, #tpu.memory_space<vmem>> -> memref<48x2x128xi32, #tpu.memory_space<vmem>>
        %dma_start3A_30 = arith.constant 0 : i32
        %dma_start3A_31 = arith.constant 0 : i32
        %dma_start3A_32 = tpu.memref_slice %arg3[%add3A_26, %dma_start3A_30, %dma_start3A_31] : memref<2560x2x128xi32, #tpu.memory_space<hbm>> -> memref<48x2x128xi32, #tpu.memory_space<hbm>>
        %dma_start3A_33 = arith.constant 0 : i32
        %dma_start3A_34 = arith.constant 0 : i32
        %dma_start3A_35 = arith.constant 0 : i32
        %dma_start3A_36 = tpu.memref_slice %arg6[%dma_start3A_33, %dma_start3A_34, %dma_start3A_35] : memref<112x2x128xi32, #tpu.memory_space<vmem>> -> memref<48x2x128xi32, #tpu.memory_space<vmem>>
        %dma_start3A_37 = arith.constant 0 : i32
        %dma_start3A_38 = arith.constant 0 : i32
        %dma_start3A_39 = tpu.memref_slice %arg3[%add3A_26, %dma_start3A_37, %dma_start3A_38] : memref<2560x2x128xi32, #tpu.memory_space<hbm>> -> memref<48x2x128xi32, #tpu.memory_space<hbm>>
        tpu.enqueue_dma source(%dma_start3A_39 : memref<48x2x128xi32, #tpu.memory_space<hbm>>) target(%dma_start3A_36 : memref<48x2x128xi32, #tpu.memory_space<vmem>>) target_semaphore(%run_scoped3A : memref<!tpu.dma_semaphore, #tpu.memory_space<semaphore_mem>>)
        %dma_wait3A = arith.constant 0 : i32
        %dma_wait3A_40 = arith.constant 0 : i32
        %dma_wait3A_41 = arith.constant 0 : i32
        %dma_wait3A_42 = tpu.memref_slice %arg6[%dma_wait3A, %dma_wait3A_40, %dma_wait3A_41] : memref<112x2x128xi32, #tpu.memory_space<vmem>> -> memref<48x2x128xi32, #tpu.memory_space<vmem>>
        %dma_wait3A_43 = arith.constant 0 : i32
        %dma_wait3A_44 = arith.constant 0 : i32
        %dma_wait3A_45 = tpu.memref_slice %arg3[%add3A_26, %dma_wait3A_43, %dma_wait3A_44] : memref<2560x2x128xi32, #tpu.memory_space<hbm>> -> memref<48x2x128xi32, #tpu.memory_space<hbm>>
        %dma_wait3A_46 = arith.constant 0 : i32
        %dma_wait3A_47 = arith.constant 0 : i32
        %dma_wait3A_48 = arith.constant 0 : i32
        %dma_wait3A_49 = tpu.memref_slice %arg6[%dma_wait3A_46, %dma_wait3A_47, %dma_wait3A_48] : memref<112x2x128xi32, #tpu.memory_space<vmem>> -> memref<48x2x128xi32, #tpu.memory_space<vmem>>
        %dma_wait3A_50 = arith.constant 0 : i32
        %dma_wait3A_51 = arith.constant 0 : i32
        %dma_wait3A_52 = tpu.memref_slice %arg3[%add3A_26, %dma_wait3A_50, %dma_wait3A_51] : memref<2560x2x128xi32, #tpu.memory_space<hbm>> -> memref<48x2x128xi32, #tpu.memory_space<hbm>>
        tpu.wait_dma2 semaphore(%run_scoped3A : memref<!tpu.dma_semaphore, #tpu.memory_space<semaphore_mem>>) src(%dma_wait3A_52 : memref<48x2x128xi32, #tpu.memory_space<hbm>>) dst(%dma_wait3A_49 : memref<48x2x128xi32, #tpu.memory_space<vmem>>)
        tpu.yield
      }) : () -> ()
    } else {
    }
    %mul3A = arith.constant 632 : i32
    %mul3A_9 = arith.muli %arg1, %mul3A : i32
    "tpu.region"() ({
      %run_scoped3A = tpu.sem_alloc : memref<!tpu.dma_semaphore, #tpu.memory_space<semaphore_mem>>
      %dma_start3A = arith.constant 0 : i32
      %dma_start3A_24 = tpu.memref_slice %arg8[%mul3A_9, %dma_start3A] : memref<10112x128xf32, #tpu.memory_space<vmem_shared>> -> memref<632x128xf32, #tpu.memory_space<vmem_shared>>
      tpu.enqueue_dma source(%arg4 : memref<632x128xf32, #tpu.memory_space<hbm>>) target(%dma_start3A_24 : memref<632x128xf32, #tpu.memory_space<vmem_shared>>) target_semaphore(%run_scoped3A : memref<!tpu.dma_semaphore, #tpu.memory_space<semaphore_mem>>)
      %dma_wait3A = arith.constant 0 : i32
      %dma_wait3A_25 = tpu.memref_slice %arg8[%mul3A_9, %dma_wait3A] : memref<10112x128xf32, #tpu.memory_space<vmem_shared>> -> memref<632x128xf32, #tpu.memory_space<vmem_shared>>
      tpu.wait_dma2 semaphore(%run_scoped3A : memref<!tpu.dma_semaphore, #tpu.memory_space<semaphore_mem>>) src(%arg4 : memref<632x128xf32, #tpu.memory_space<hbm>>) dst(%dma_wait3A_25 : memref<632x128xf32, #tpu.memory_space<vmem_shared>>)
      tpu.yield
    }) : () -> ()
    %barrier3A = arith.constant 0 : index
    tpu.barrier barrier_id(%barrier3A)
    %while3A = arith.constant 0 : i32
    %while3A_10 = arith.constant 0 : i32
    %while3A_11 = arith.subi %select_n3A, %while3A_10 : i32
    %while3A_12 = arith.addi %while3A_10, %while3A_11 : i32
    %while3A_13 = arith.constant 1 : i32
    %while3A_14 = arith.divsi %while3A_11, %while3A_13 : i32
    %while3A_15 = arith.muli %while3A_14, %while3A_13 : i32
    %while3A_16 = arith.addi %while3A_10, %while3A_15 : i32
    %while3A_17 = arith.constant 1 : i32
    scf.for %while3A_24 = %while3A_10 to %while3A_16 step %while3A_17  : i32 {
      %dma_start3A = arith.constant 0 : i32
      %dma_start3A_25 = arith.constant 0 : i32
      %dma_start3A_26 = tpu.memref_slice %arg6[%while3A_24, %dma_start3A, %dma_start3A_25] : memref<112x2x128xi32, #tpu.memory_space<vmem>> -> memref<1x1x128xi32, #tpu.memory_space<vmem>>
      %dma_start3A_27 = tpu.memref_squeeze %dma_start3A_26 : memref<1x1x128xi32, #tpu.memory_space<vmem>> -> memref<128xi32, #tpu.memory_space<vmem>>
      %dma_start3A_28 = arith.constant 0 : i32
      %dma_start3A_29 = arith.constant 0 : i32
      %dma_start3A_30 = tpu.memref_slice %arg2[%dma_start3A_28, %dma_start3A_29] : memref<10000x128xf32, #tpu.memory_space<hbm>> -> memref<10000x128xf32, #tpu.memory_space<hbm>>
      tpu.enqueue_indirect_dma source(%dma_start3A_30 : memref<10000x128xf32, #tpu.memory_space<hbm>>) target(%arg7 : memref<128x128xf32, #tpu.memory_space<vmem>>) offsets(%dma_start3A_27 : memref<128xi32, #tpu.memory_space<vmem>>) semaphore(%arg9 : memref<!tpu.dma_semaphore, #tpu.memory_space<semaphore_mem>>)
      %dma_wait3A = arith.constant 0 : i32
      %dma_wait3A_31 = arith.constant 0 : i32
      %dma_wait3A_32 = tpu.memref_slice %arg6[%while3A_24, %dma_wait3A, %dma_wait3A_31] : memref<112x2x128xi32, #tpu.memory_space<vmem>> -> memref<1x1x128xi32, #tpu.memory_space<vmem>>
      %dma_wait3A_33 = tpu.memref_squeeze %dma_wait3A_32 : memref<1x1x128xi32, #tpu.memory_space<vmem>> -> memref<128xi32, #tpu.memory_space<vmem>>
      %dma_wait3A_34 = arith.constant 0 : i32
      %dma_wait3A_35 = arith.constant 0 : i32
      %dma_wait3A_36 = tpu.memref_slice %arg2[%dma_wait3A_34, %dma_wait3A_35] : memref<10000x128xf32, #tpu.memory_space<hbm>> -> memref<10000x128xf32, #tpu.memory_space<hbm>>
      tpu.wait_indirect_dma semaphore(%arg9 : memref<!tpu.dma_semaphore, #tpu.memory_space<semaphore_mem>>) src(%dma_wait3A_36 : memref<10000x128xf32, #tpu.memory_space<hbm>>) dst(%arg7 : memref<128x128xf32, #tpu.memory_space<vmem>>)
      %run_scoped3A = arith.constant 1 : i32
      "tpu.region"() ({
        %run_scoped3A_37 = tpu.sem_alloc : memref<!tpu.dma_semaphore, #tpu.memory_space<semaphore_mem>>
        %dma_start3A_38 = arith.constant 0 : i32
        %dma_start3A_39 = tpu.memref_slice %arg6[%while3A_24, %run_scoped3A, %dma_start3A_38] : memref<112x2x128xi32, #tpu.memory_space<vmem>> -> memref<1x1x128xi32, #tpu.memory_space<vmem>>
        %dma_start3A_40 = tpu.memref_squeeze %dma_start3A_39 : memref<1x1x128xi32, #tpu.memory_space<vmem>> -> memref<128xi32, #tpu.memory_space<vmem>>
        %dma_start3A_41 = arith.constant 0 : i32
        %dma_start3A_42 = arith.constant 0 : i32
        %dma_start3A_43 = tpu.memref_slice %arg8[%dma_start3A_41, %dma_start3A_42] : memref<10112x128xf32, #tpu.memory_space<vmem_shared>> -> memref<10112x128xf32, #tpu.memory_space<vmem_shared>>
        tpu.enqueue_indirect_dma source(%arg7 : memref<128x128xf32, #tpu.memory_space<vmem>>) target(%dma_start3A_43 : memref<10112x128xf32, #tpu.memory_space<vmem_shared>>) offsets(%dma_start3A_40 : memref<128xi32, #tpu.memory_space<vmem>>) semaphore(%run_scoped3A_37 : memref<!tpu.dma_semaphore, #tpu.memory_space<semaphore_mem>>) {add = true}
        %dma_wait3A_44 = arith.constant 0 : i32
        %dma_wait3A_45 = tpu.memref_slice %arg6[%while3A_24, %run_scoped3A, %dma_wait3A_44] : memref<112x2x128xi32, #tpu.memory_space<vmem>> -> memref<1x1x128xi32, #tpu.memory_space<vmem>>
        %dma_wait3A_46 = tpu.memref_squeeze %dma_wait3A_45 : memref<1x1x128xi32, #tpu.memory_space<vmem>> -> memref<128xi32, #tpu.memory_space<vmem>>
        %dma_wait3A_47 = arith.constant 0 : i32
        %dma_wait3A_48 = arith.constant 0 : i32
        %dma_wait3A_49 = tpu.memref_slice %arg8[%dma_wait3A_47, %dma_wait3A_48] : memref<10112x128xf32, #tpu.memory_space<vmem_shared>> -> memref<10112x128xf32, #tpu.memory_space<vmem_shared>>
        tpu.wait_indirect_dma semaphore(%run_scoped3A_37 : memref<!tpu.dma_semaphore, #tpu.memory_space<semaphore_mem>>) src(%arg7 : memref<128x128xf32, #tpu.memory_space<vmem>>) dst(%dma_wait3A_49 : memref<10112x128xf32, #tpu.memory_space<vmem_shared>>)
        tpu.yield
      }) : () -> ()
    }
    %while3A_18 = arith.constant 1 : i32
    scf.for %while3A_24 = %while3A_16 to %while3A_12 step %while3A_18  : i32 {
      %dma_start3A = arith.constant 0 : i32
      %dma_start3A_25 = arith.constant 0 : i32
      %dma_start3A_26 = tpu.memref_slice %arg6[%while3A_24, %dma_start3A, %dma_start3A_25] : memref<112x2x128xi32, #tpu.memory_space<vmem>> -> memref<1x1x128xi32, #tpu.memory_space<vmem>>
      %dma_start3A_27 = tpu.memref_squeeze %dma_start3A_26 : memref<1x1x128xi32, #tpu.memory_space<vmem>> -> memref<128xi32, #tpu.memory_space<vmem>>
      %dma_start3A_28 = arith.constant 0 : i32
      %dma_start3A_29 = arith.constant 0 : i32
      %dma_start3A_30 = tpu.memref_slice %arg2[%dma_start3A_28, %dma_start3A_29] : memref<10000x128xf32, #tpu.memory_space<hbm>> -> memref<10000x128xf32, #tpu.memory_space<hbm>>
      tpu.enqueue_indirect_dma source(%dma_start3A_30 : memref<10000x128xf32, #tpu.memory_space<hbm>>) target(%arg7 : memref<128x128xf32, #tpu.memory_space<vmem>>) offsets(%dma_start3A_27 : memref<128xi32, #tpu.memory_space<vmem>>) semaphore(%arg9 : memref<!tpu.dma_semaphore, #tpu.memory_space<semaphore_mem>>)
      %dma_wait3A = arith.constant 0 : i32
      %dma_wait3A_31 = arith.constant 0 : i32
      %dma_wait3A_32 = tpu.memref_slice %arg6[%while3A_24, %dma_wait3A, %dma_wait3A_31] : memref<112x2x128xi32, #tpu.memory_space<vmem>> -> memref<1x1x128xi32, #tpu.memory_space<vmem>>
      %dma_wait3A_33 = tpu.memref_squeeze %dma_wait3A_32 : memref<1x1x128xi32, #tpu.memory_space<vmem>> -> memref<128xi32, #tpu.memory_space<vmem>>
      %dma_wait3A_34 = arith.constant 0 : i32
      %dma_wait3A_35 = arith.constant 0 : i32
      %dma_wait3A_36 = tpu.memref_slice %arg2[%dma_wait3A_34, %dma_wait3A_35] : memref<10000x128xf32, #tpu.memory_space<hbm>> -> memref<10000x128xf32, #tpu.memory_space<hbm>>
      tpu.wait_indirect_dma semaphore(%arg9 : memref<!tpu.dma_semaphore, #tpu.memory_space<semaphore_mem>>) src(%dma_wait3A_36 : memref<10000x128xf32, #tpu.memory_space<hbm>>) dst(%arg7 : memref<128x128xf32, #tpu.memory_space<vmem>>)
      %run_scoped3A = arith.constant 1 : i32
      "tpu.region"() ({
        %run_scoped3A_37 = tpu.sem_alloc : memref<!tpu.dma_semaphore, #tpu.memory_space<semaphore_mem>>
        %dma_start3A_38 = arith.constant 0 : i32
        %dma_start3A_39 = tpu.memref_slice %arg6[%while3A_24, %run_scoped3A, %dma_start3A_38] : memref<112x2x128xi32, #tpu.memory_space<vmem>> -> memref<1x1x128xi32, #tpu.memory_space<vmem>>
        %dma_start3A_40 = tpu.memref_squeeze %dma_start3A_39 : memref<1x1x128xi32, #tpu.memory_space<vmem>> -> memref<128xi32, #tpu.memory_space<vmem>>
        %dma_start3A_41 = arith.constant 0 : i32
        %dma_start3A_42 = arith.constant 0 : i32
        %dma_start3A_43 = tpu.memref_slice %arg8[%dma_start3A_41, %dma_start3A_42] : memref<10112x128xf32, #tpu.memory_space<vmem_shared>> -> memref<10112x128xf32, #tpu.memory_space<vmem_shared>>
        tpu.enqueue_indirect_dma source(%arg7 : memref<128x128xf32, #tpu.memory_space<vmem>>) target(%dma_start3A_43 : memref<10112x128xf32, #tpu.memory_space<vmem_shared>>) offsets(%dma_start3A_40 : memref<128xi32, #tpu.memory_space<vmem>>) semaphore(%run_scoped3A_37 : memref<!tpu.dma_semaphore, #tpu.memory_space<semaphore_mem>>) {add = true}
        %dma_wait3A_44 = arith.constant 0 : i32
        %dma_wait3A_45 = tpu.memref_slice %arg6[%while3A_24, %run_scoped3A, %dma_wait3A_44] : memref<112x2x128xi32, #tpu.memory_space<vmem>> -> memref<1x1x128xi32, #tpu.memory_space<vmem>>
        %dma_wait3A_46 = tpu.memref_squeeze %dma_wait3A_45 : memref<1x1x128xi32, #tpu.memory_space<vmem>> -> memref<128xi32, #tpu.memory_space<vmem>>
        %dma_wait3A_47 = arith.constant 0 : i32
        %dma_wait3A_48 = arith.constant 0 : i32
        %dma_wait3A_49 = tpu.memref_slice %arg8[%dma_wait3A_47, %dma_wait3A_48] : memref<10112x128xf32, #tpu.memory_space<vmem_shared>> -> memref<10112x128xf32, #tpu.memory_space<vmem_shared>>
        tpu.wait_indirect_dma semaphore(%run_scoped3A_37 : memref<!tpu.dma_semaphore, #tpu.memory_space<semaphore_mem>>) src(%arg7 : memref<128x128xf32, #tpu.memory_space<vmem>>) dst(%dma_wait3A_49 : memref<10112x128xf32, #tpu.memory_space<vmem_shared>>)
        tpu.yield
      }) : () -> ()
    }
    %barrier3A_19 = arith.constant 0 : index
    tpu.barrier barrier_id(%barrier3A_19)
    %mul3A_20 = arith.constant 632 : i32
    %mul3A_21 = arith.muli %arg1, %mul3A_20 : i32
    %mul3A_22 = arith.constant 632 : i32
    %mul3A_23 = arith.muli %arg1, %mul3A_22 : i32
    "tpu.region"() ({
      %run_scoped3A = tpu.sem_alloc : memref<!tpu.dma_semaphore, #tpu.memory_space<semaphore_mem>>
      %dma_start3A = arith.constant 0 : i32
      %dma_start3A_24 = tpu.memref_slice %arg5[%arg0, %mul3A_23, %dma_start3A] : memref<2x10112x128xf32, #tpu.memory_space<hbm>> -> memref<1x632x128xf32, #tpu.memory_space<hbm>>
      %dma_start3A_25 = tpu.memref_squeeze %dma_start3A_24 : memref<1x632x128xf32, #tpu.memory_space<hbm>> -> memref<632x128xf32, #tpu.memory_space<hbm>>
      %dma_start3A_26 = arith.constant 0 : i32
      %dma_start3A_27 = tpu.memref_slice %arg8[%mul3A_21, %dma_start3A_26] : memref<10112x128xf32, #tpu.memory_space<vmem_shared>> -> memref<632x128xf32, #tpu.memory_space<vmem_shared>>
      tpu.enqueue_dma source(%dma_start3A_27 : memref<632x128xf32, #tpu.memory_space<vmem_shared>>) target(%dma_start3A_25 : memref<632x128xf32, #tpu.memory_space<hbm>>) target_semaphore(%run_scoped3A : memref<!tpu.dma_semaphore, #tpu.memory_space<semaphore_mem>>)
      %dma_wait3A = arith.constant 0 : i32
      %dma_wait3A_28 = tpu.memref_slice %arg5[%arg0, %mul3A_23, %dma_wait3A] : memref<2x10112x128xf32, #tpu.memory_space<hbm>> -> memref<1x632x128xf32, #tpu.memory_space<hbm>>
      %dma_wait3A_29 = tpu.memref_squeeze %dma_wait3A_28 : memref<1x632x128xf32, #tpu.memory_space<hbm>> -> memref<632x128xf32, #tpu.memory_space<hbm>>
      %dma_wait3A_30 = arith.constant 0 : i32
      %dma_wait3A_31 = tpu.memref_slice %arg8[%mul3A_21, %dma_wait3A_30] : memref<10112x128xf32, #tpu.memory_space<vmem_shared>> -> memref<632x128xf32, #tpu.memory_space<vmem_shared>>
      tpu.wait_dma2 semaphore(%run_scoped3A : memref<!tpu.dma_semaphore, #tpu.memory_space<semaphore_mem>>) src(%dma_wait3A_31 : memref<632x128xf32, #tpu.memory_space<vmem_shared>>) dst(%dma_wait3A_29 : memref<632x128xf32, #tpu.memory_space<hbm>>)
      tpu.yield
    }) : () -> ()
    return
  }
}

module attributes {stable_mosaic.version = 14 : i64} {
  func.func @body(%arg0: i32, %arg1: memref<1000x128xf32, #tpu.memory_space<vmem>>, %arg2: memref<128x128xf32, #tpu.memory_space<vmem>>, %arg3: memref<1000x32xf32, #tpu.memory_space<vmem>>, %arg4: memref<1x128xf32, #tpu.memory_space<vmem>>, %arg5: memref<1x128xf32, #tpu.memory_space<vmem>>, %arg6: memref<1000x128xf32, #tpu.memory_space<vmem>>, %arg7: memref<1000x128xf32, #tpu.memory_space<vmem>>) attributes {dimension_semantics = [#tpu.dimension_semantics<arbitrary>], iteration_bounds = array<i64: 10>, scalar_prefetch = 0 : i64, scratch_operands = 0 : i64, tpu.core_type = #tpu.core_type<tc>, window_params = [{transform_indices = @transform_0, window_bounds = array<i64: 1000, 128>}, {pipeline_mode = #tpu.pipeline_mode<synchronous>, transform_indices = @transform_1, window_bounds = array<i64: 128, 128>}, {transform_indices = @transform_2, window_bounds = array<i64: 1000, 32>}, {pipeline_mode = #tpu.pipeline_mode<synchronous>, transform_indices = @transform_3, window_bounds = array<i64: 1, 128>}, {pipeline_mode = #tpu.pipeline_mode<synchronous>, transform_indices = @transform_4, window_bounds = array<i64: 1, 128>}, {transform_indices = @transform_5, window_bounds = array<i64: 1000, 128>}, {transform_indices = @transform_6, window_bounds = array<i64: 1000, 128>}]} {
    %get3A = arith.constant 0 : index
    %get3A_0 = arith.constant 0 : index
    %get3A_1 = vector.load %arg1[%get3A, %get3A_0] : memref<1000x128xf32, #tpu.memory_space<vmem>>, vector<1000x128xf32>
    %get3A_2 = arith.constant 0 : index
    %get3A_3 = arith.constant 0 : index
    %get3A_4 = vector.load %arg2[%get3A_2, %get3A_3] : memref<128x128xf32, #tpu.memory_space<vmem>>, vector<128x128xf32>
    %dot_general3A = arith.constant dense<0.000000e+00> : vector<1000x128xf32>
    %dot_general3A_5 = tpu.matmul %get3A_1, %get3A_4, %dot_general3A {dimension_numbers = #tpu.dot_dimension_numbers<[1], [0], [0], [1], [0, 0, 1, 1], [], []>, transpose_lhs_hint = false} : vector<1000x128xf32>, vector<128x128xf32>, vector<1000x128xf32> -> vector<1000x128xf32>
    %get3A_6 = arith.constant 0 : index
    %get3A_7 = arith.constant 0 : index
    %get3A_8 = vector.load %arg3[%get3A_6, %get3A_7] : memref<1000x32xf32, #tpu.memory_space<vmem>>, vector<1000x32xf32>
    %reduce_sum3A = arith.constant dense<0.000000e+00> : vector<1000xf32>
    %reduce_sum3A_9 = vector.multi_reduction <add>, %get3A_8, %reduce_sum3A [1] : vector<1000x32xf32> to vector<1000xf32>
    %add3A = arith.constant 1.000000e+00 : f32
    %add3A_10 = vector.broadcast %add3A : f32 to vector<1000xf32>
    %add3A_11 = arith.addf %add3A_10, %reduce_sum3A_9 : vector<1000xf32>
    %rsqrt3A = math.rsqrt %add3A_11 : vector<1000xf32>
    %broadcast_in_dim3A = vector.shape_cast %rsqrt3A : vector<1000xf32> to vector<1000x1xf32>
    %mul3A = vector.broadcast %broadcast_in_dim3A : vector<1000x1xf32> to vector<1000x128xf32>
    %mul3A_12 = arith.mulf %mul3A, %dot_general3A_5 : vector<1000x128xf32>
    %swap3A = arith.constant 0 : index
    %swap3A_13 = arith.constant 0 : index
    %swap3A_14 = vector.load %arg6[%swap3A, %swap3A_13] : memref<1000x128xf32, #tpu.memory_space<vmem>>, vector<1000x128xf32>
    tpu.vector_store %arg6[%swap3A, %swap3A_13], %mul3A_12 {strides = array<i32>} : memref<1000x128xf32, #tpu.memory_space<vmem>>, vector<1000x128xf32>,
    %mul3A_15 = arith.mulf %broadcast_in_dim3A, %broadcast_in_dim3A : vector<1000x1xf32>
    %mul3A_16 = vector.broadcast %mul3A_15 : vector<1000x1xf32> to vector<1000x128xf32>
    %mul3A_17 = arith.mulf %mul3A_16, %dot_general3A_5 : vector<1000x128xf32>
    %get3A_18 = arith.constant 0 : index
    %get3A_19 = arith.constant 0 : index
    %get3A_20 = vector.load %arg4[%get3A_18, %get3A_19] : memref<1x128xf32, #tpu.memory_space<vmem>>, vector<1x128xf32>
    %add3A_21 = vector.broadcast %get3A_20 : vector<1x128xf32> to vector<1000x128xf32>
    %add3A_22 = arith.addf %mul3A_17, %add3A_21 : vector<1000x128xf32>
    %get3A_23 = arith.constant 0 : index
    %get3A_24 = arith.constant 0 : index
    %get3A_25 = vector.load %arg5[%get3A_23, %get3A_24] : memref<1x128xf32, #tpu.memory_space<vmem>>, vector<1x128xf32>
    %add3A_26 = vector.broadcast %get3A_25 : vector<1x128xf32> to vector<1000x128xf32>
    %add3A_27 = arith.addf %add3A_22, %add3A_26 : vector<1000x128xf32>
    %swap3A_28 = arith.constant 0 : index
    %swap3A_29 = arith.constant 0 : index
    %swap3A_30 = vector.load %arg7[%swap3A_28, %swap3A_29] : memref<1000x128xf32, #tpu.memory_space<vmem>>, vector<1000x128xf32>
    tpu.vector_store %arg7[%swap3A_28, %swap3A_29], %add3A_27 {strides = array<i32>} : memref<1000x128xf32, #tpu.memory_space<vmem>>, vector<1000x128xf32>,
    return
  }
  func.func @transform_0(%arg0: i32) -> (i32, i32) {
    %c0_i32 = arith.constant 0 : i32
    %c0_i32_0 = arith.constant 0 : i32
    return %arg0, %c0_i32 : i32, i32
  }
  func.func @transform_1(%arg0: i32) -> (i32, i32) {
    %c0_i32 = arith.constant 0 : i32
    %c0_i32_0 = arith.constant 0 : i32
    %c0_i32_1 = arith.constant 0 : i32
    return %c0_i32, %c0_i32_0 : i32, i32
  }
  func.func @transform_2(%arg0: i32) -> (i32, i32) {
    %c0_i32 = arith.constant 0 : i32
    %c0_i32_0 = arith.constant 0 : i32
    return %arg0, %c0_i32 : i32, i32
  }
  func.func @transform_3(%arg0: i32) -> (i32, i32) {
    %c0_i32 = arith.constant 0 : i32
    %c0_i32_0 = arith.constant 0 : i32
    %c0_i32_1 = arith.constant 0 : i32
    return %c0_i32, %c0_i32_0 : i32, i32
  }
  func.func @transform_4(%arg0: i32) -> (i32, i32) {
    %c0_i32 = arith.constant 0 : i32
    %c0_i32_0 = arith.constant 0 : i32
    %c0_i32_1 = arith.constant 0 : i32
    return %c0_i32, %c0_i32_0 : i32, i32
  }
  func.func @transform_5(%arg0: i32) -> (i32, i32) {
    %c0_i32 = arith.constant 0 : i32
    %c0_i32_0 = arith.constant 0 : i32
    return %arg0, %c0_i32 : i32, i32
  }
  func.func @transform_6(%arg0: i32) -> (i32, i32) {
    %c0_i32 = arith.constant 0 : i32
    %c0_i32_0 = arith.constant 0 : i32
    return %arg0, %c0_i32 : i32, i32
  }
}

module attributes {stable_mosaic.version = 14 : i64} {
  func.func @body(%arg0: i32, %arg1: memref<2x1000x128xf32, #tpu.memory_space<vmem>>, %arg2: memref<1000x32xf32, #tpu.memory_space<vmem>>, %arg3: memref<1000x128xf32, #tpu.memory_space<vmem>>, %arg4: memref<1000x128xf32, #tpu.memory_space<vmem>>) attributes {dimension_semantics = [#tpu.dimension_semantics<arbitrary>], iteration_bounds = array<i64: 10>, scalar_prefetch = 0 : i64, scratch_operands = 0 : i64, tpu.core_type = #tpu.core_type<tc>, window_params = [{transform_indices = @transform_0, window_bounds = array<i64: 2, 1000, 128>}, {transform_indices = @transform_1, window_bounds = array<i64: 1000, 32>}, {transform_indices = @transform_2, window_bounds = array<i64: 1000, 128>}, {transform_indices = @transform_3, window_bounds = array<i64: 1000, 128>}]} {
    %get3A = arith.constant 0 : index
    %get3A_0 = arith.constant 0 : index
    %get3A_1 = arith.constant 0 : index
    %get3A_2 = vector.load %arg1[%get3A, %get3A_0, %get3A_1] : memref<2x1000x128xf32, #tpu.memory_space<vmem>>, vector<2x1000x128xf32>
    %get3A_3 = arith.constant 0 : index
    %get3A_4 = arith.constant 0 : index
    %get3A_5 = vector.load %arg2[%get3A_3, %get3A_4] : memref<1000x32xf32, #tpu.memory_space<vmem>>, vector<1000x32xf32>
    %reduce_sum3A = arith.constant dense<0.000000e+00> : vector<1000xf32>
    %reduce_sum3A_6 = vector.multi_reduction <add>, %get3A_5, %reduce_sum3A [1] : vector<1000x32xf32> to vector<1000xf32>
    %add3A = arith.constant 1.000000e+00 : f32
    %add3A_7 = vector.broadcast %add3A : f32 to vector<1000xf32>
    %add3A_8 = arith.addf %add3A_7, %reduce_sum3A_6 : vector<1000xf32>
    %rsqrt3A = math.rsqrt %add3A_8 : vector<1000xf32>
    %broadcast_in_dim3A = vector.shape_cast %rsqrt3A : vector<1000xf32> to vector<1000x1xf32>
    %slice3A = vector.extract_strided_slice %get3A_2 {offsets = [0, 0, 0], sizes = [1, 1000, 128], strides = [1, 1, 1]} : vector<2x1000x128xf32> to vector<1x1000x128xf32>
    %squeeze3A = vector.shape_cast %slice3A : vector<1x1000x128xf32> to vector<1000x128xf32>
    %slice3A_9 = vector.extract_strided_slice %get3A_2 {offsets = [1, 0, 0], sizes = [1, 1000, 128], strides = [1, 1, 1]} : vector<2x1000x128xf32> to vector<1x1000x128xf32>
    %squeeze3A_10 = vector.shape_cast %slice3A_9 : vector<1x1000x128xf32> to vector<1000x128xf32>
    %add3A_11 = arith.addf %squeeze3A, %squeeze3A_10 : vector<1000x128xf32>
    %mul3A = vector.broadcast %broadcast_in_dim3A : vector<1000x1xf32> to vector<1000x128xf32>
    %mul3A_12 = arith.mulf %mul3A, %add3A_11 : vector<1000x128xf32>
    %get3A_13 = arith.constant 0 : index
    %get3A_14 = arith.constant 0 : index
    %get3A_15 = vector.load %arg3[%get3A_13, %get3A_14] : memref<1000x128xf32, #tpu.memory_space<vmem>>, vector<1000x128xf32>
    %add3A_16 = arith.addf %mul3A_12, %get3A_15 : vector<1000x128xf32>
    %swap3A = arith.constant 0 : index
    %swap3A_17 = arith.constant 0 : index
    %swap3A_18 = vector.load %arg4[%swap3A, %swap3A_17] : memref<1000x128xf32, #tpu.memory_space<vmem>>, vector<1000x128xf32>
    tpu.vector_store %arg4[%swap3A, %swap3A_17], %add3A_16 {strides = array<i32>} : memref<1000x128xf32, #tpu.memory_space<vmem>>, vector<1000x128xf32>,
    return
  }
  func.func @transform_0(%arg0: i32) -> (i32, i32, i32) {
    %c0_i32 = arith.constant 0 : i32
    %c0_i32_0 = arith.constant 0 : i32
    %c0_i32_1 = arith.constant 0 : i32
    return %c0_i32, %arg0, %c0_i32_0 : i32, i32, i32
  }
  func.func @transform_1(%arg0: i32) -> (i32, i32) {
    %c0_i32 = arith.constant 0 : i32
    %c0_i32_0 = arith.constant 0 : i32
    return %arg0, %c0_i32 : i32, i32
  }
  func.func @transform_2(%arg0: i32) -> (i32, i32) {
    %c0_i32 = arith.constant 0 : i32
    %c0_i32_0 = arith.constant 0 : i32
    return %arg0, %c0_i32 : i32, i32
  }
  func.func @transform_3(%arg0: i32) -> (i32, i32) {
    %c0_i32 = arith.constant 0 : i32
    %c0_i32_0 = arith.constant 0 : i32
    return %arg0, %c0_i32 : i32, i32
  }
}

</mosaic_0001>

<sc_bundles>
// kernel: kernel.6.cloned.1.call-start
scs
__scs_entry_jumppad:
0x0: {  	(pc) =	sbr.rel $0x88, $3  }
0x1: {  	(tag) =	ssettag $0x0;
	lr =	simm.s32 $0x1  }
0x2: {  	[smem:$0x3F9C] =	sst lr;
	_ =	strace $0xD0000000  }
0x3: {  	_ = 	snop  }
0x4: {  	_ = 	snop  }
0x5: {  	_ = 	snop  }
0x6: {  	_ = 	snop  }
0x7: {  	_ = 	snop  }
__scs_overlays_trampoline_lowered:
0x8: {  	[smem:$0x3FAB] =	sst s0  }
0x9: {  	[smem:$0x3FAC] =	sst s1  }
0xa: {  	[smem:$0x3FAD] =	sst s2  }
0xb: {  	[smem:$0x3FAE] =	sst s3  }
0xc: {  	[smem:$0x3FAF] =	sst s4  }
0xd: {  	[smem:$0x3FB0] =	sst s5  }
0xe: {  	[smem:$0x3FB1] =	sst s6  }
0xf: {  	[smem:$0x3FB2] =	sst s7  }
0x10: {  	[smem:$0x3FB3] =	sst s8  }
0x11: {  	[smem:$0x3FB4] =	sst s9;
	s0 =	simm.s32 @!p0 $0x0  }
0x12: {  	s1 =	sld [smem:$0x3F9A];
	s0 =	simm.s32 @p0 $0x1  }
0x13: {  	[smem:$0x3FB5] =	sst s0;
	s0 =	simm.s32 @!p1 $0x0  }
0x14: {  	s2 =	sld [smem:$0x3F99];
	s0 =	simm.s32 @p1 $0x1  }
0x15: {  	[smem:$0x3FB6] =	sst s0;
	s0 =	simm.s32 @!p2 $0x0  }
0x16: {  	s3 =	sld [smem:$0x3FDB];
	s0 =	simm.s32 @p2 $0x1  }
0x17: {  	s4 =	simm.s32 $0x1BF5;
	[smem:$0x3FB8] =	sst s0  }
0x18: {  	s0 =	sld [smem:$0x3F9B];
	_ =	swait.ge [sflag:s4], $0x0  }
0x19: {  	s7 =	sld [smem:$0x3F9C]  }
0x1a: {  	s8 =	sadd.s32 $0xFFFFE003, lr  }
0x1b: {  	s9 =	sadd.s32 $0xFFFFFEF7, lr;
	s5 =	simm.s32 $0xFFFFFFFF;
	p2 =	slt.u32 s8, $0xFFFFF086  }
0x1c: {  	p1 =	slt.u32 s9, $0xF7A;
	s5 =	simm.s32 @!p2 $0x0  }
0x1d: {  	s5 =	simm.s32 @p1 $0x1;
	p0 =	seq.s32 s7, s2  }
0x1e: {  	s7 =	smul.u32 @!p0 $0xF7A, s2;
	p2 =	seq.s32 @!p0 s5, $0x0  }
0x1f: {  	s9 =	smul.u32 $0xF7A, s1;
	s8 =	simm.s32 @!p0 $0x1BF5;
	p2 =	por !p2, p0  }
0x20: {  	[sflag:s8] =	ssyncset.s32 @!p0 $0xFFFFF086;
	s6 =	sadd.s32 @!p0 s3, s7;
	s7 =	simm.s32 @!p0 $0x108  }
0x21: {  	s3 =	sadd.s32 s3, s9;
	s6 =	sadd.s32 @!p0 $0x88, s6;
	s7 =	simm.s32 @p2 $0x1082  }
0x22: {  	[simem:s7], [sflag:s8] =	dma.local @!p0 [hbm:s6], $0xF7A  }
0x23: {  	s9 =	sor.u32 $0xD0000000, s2;
	s6 =	simm.s32 $0x108;
	_ =	swait.ge @!p0 [sflag:s8], $0x0  }
0x24: {  	s3 =	sadd.s32 $0x88, s3;
	s6 =	simm.s32 @!p1 $0x1082;
	[sflag:s4] =	ssyncset.s32 $0xFFFFF086  }
0x25: {  	[simem:s6], [sflag:s4] =	dma.local [hbm:s3], $0xF7A  }
0x26: {  	[smem:$0x3F9C] =	sst s1;
	(tag) =	ssettag s2;
	_ =	strace s9  }
0x27: {  	s1 =	sld [smem:$0x3FAC]  }
0x28: {  	s2 =	sld [smem:$0x3FAD]  }
0x29: {  	s4 =	sld [smem:$0x3FAF]  }
0x2a: {  	p0 =	seq.s32 s5, $0x0;
	s5 =	sld [smem:$0x3FB0]  }
0x2b: {  	s6 =	sld [smem:$0x3FB1]  }
0x2c: {  	s7 =	sld [smem:$0x3FB2]  }
0x2d: {  	s3 =	simm.s32 $0x108;
	s8 =	sld [smem:$0x3FB3]  }
0x2e: {  	s3 =	simm.s32 @!p0 $0x1082;
	s9 =	sld [smem:$0x3FB4]  }
0x2f: {  	lr =	sadd.s32 s0, s3;
	s0 =	sld [smem:$0x3FAB]  }
0x30: {  	s3 =	sld [smem:$0x3FAE]  }
0x31: {  	[smem:$0x3FB7] =	sst s10  }
0x32: {  	s10 =	sld [smem:$0x3FB5];
	_ =	sdelay $0x3  }
0x33: {  	p0 =	seq.s32 s10, $0x1;
	s10 =	sld [smem:$0x3FB7];
	_ =	sdelay $0x3  }
0x34: {  	[smem:$0x3FB7] =	sst s10  }
0x35: {  	s10 =	sld [smem:$0x3FB6];
	_ =	sdelay $0x3  }
0x36: {  	p1 =	seq.s32 s10, $0x1;
	s10 =	sld [smem:$0x3FB7];
	_ =	sdelay $0x3  }
0x37: {  	[smem:$0x3FB7] =	sst s10  }
0x38: {  	s10 =	sld [smem:$0x3FB8]  }
0x39: {  	_ = 	snop;
	(pc) =	sbr.ind lr, $3  }
0x3a: {  	_ = 	snop  }
0x3b: {  	_ = 	snop  }
0x3c: {  	p2 =	seq.s32 s10, $0x1;
	s10 =	sld [smem:$0x3FB7]  }
0x3d: {  	_ =	shalt  }
0x3e: {  	_ =	shalt  }
0x3f: {  	_ =	shalt  }
0x40: {  	_ =	shalt  }
0x41: {  	_ =	shalt  }
0x42: {  	_ =	shalt  }
0x43: {  	_ =	shalt  }
0x44: {  	_ =	shalt  }
0x45: {  	_ =	shalt  }
0x46: {  	_ =	shalt  }
0x47: {  	_ =	shalt  }
0x48: {  	_ =	shalt  }
0x49: {  	_ =	shalt  }
0x4a: {  	_ =	shalt  }
0x4b: {  	_ =	shalt  }
0x4c: {  	_ =	shalt  }
0x4d: {  	_ =	shalt  }
0x4e: {  	_ =	shalt  }
0x4f: {  	_ =	shalt  }
0x50: {  	_ =	shalt  }
0x51: {  	_ =	shalt  }
0x52: {  	_ =	shalt  }
0x53: {  	_ =	shalt  }
0x54: {  	_ =	shalt  }
0x55: {  	_ =	shalt  }
0x56: {  	_ =	shalt  }
0x57: {  	_ =	shalt  }
0x58: {  	_ =	shalt  }
0x59: {  	_ =	shalt  }
0x5a: {  	_ =	shalt  }
0x5b: {  	_ =	shalt  }
0x5c: {  	_ =	shalt  }
0x5d: {  	_ =	shalt  }
0x5e: {  	_ =	shalt  }
0x5f: {  	_ =	shalt  }
0x60: {  	_ =	shalt  }
0x61: {  	_ =	shalt  }
0x62: {  	_ =	shalt  }
0x63: {  	_ =	shalt  }
0x64: {  	_ =	shalt  }
0x65: {  	_ =	shalt  }
0x66: {  	_ =	shalt  }
0x67: {  	_ =	shalt  }
0x68: {  	_ =	shalt  }
0x69: {  	_ =	shalt  }
0x6a: {  	_ =	shalt  }
0x6b: {  	_ =	shalt  }
0x6c: {  	_ =	shalt  }
0x6d: {  	_ =	shalt  }
0x6e: {  	_ =	shalt  }
0x6f: {  	_ =	shalt  }
0x70: {  	_ =	shalt  }
0x71: {  	_ =	shalt  }
0x72: {  	_ =	shalt  }
0x73: {  	_ =	shalt  }
0x74: {  	_ =	shalt  }
0x75: {  	_ =	shalt  }
0x76: {  	_ =	shalt  }
0x77: {  	_ =	shalt  }
0x78: {  	_ =	shalt  }
0x79: {  	_ =	shalt  }
0x7a: {  	_ =	shalt  }
0x7b: {  	_ =	shalt  }
0x7c: {  	_ =	shalt  }
0x7d: {  	_ =	shalt  }
0x7e: {  	_ =	shalt  }
0x7f: {  	_ =	shalt  }
0x80: {  	_ =	shalt  }
0x81: {  	_ =	shalt  }
0x82: {  	_ =	shalt  }
0x83: {  	_ =	shalt  }
0x84: {  	_ =	shalt  }
0x85: {  	_ =	shalt  }
0x86: {  	_ =	shalt  }
0x87: {  	_ =	shalt  }
.Lfunc_end0:
.L_simem_size_0:
called_computation_lowered:
.L_overlay_start_0:
0x88: {  	s2 =	sld [smem:$0x3FD9]  }
0x89: {  	s3 =	sld [smem:$0x3FFE];
	_ =	sdelay $0x1  }
0x8a: {  	s1 =	srdreg.scid  }
0x8b: {  	s0 =	sand.u32 $0x1, s1  }
0x8c: {  	s17 =	sshll.u32 s0, $0xA;
	s2 =	sadd.s32 s3, s2  }
0x8d: {  	s2 =	sadd.s32 s2, s17  }
0x8e: {  	[smem:$0x3FC3] =	sst s2  }
0x8f: {  	_ = 	snop  }
0x90: {  	s2 =	sld [smem:$0x3FD0];
	(tm) =	ssettm $0x1  }
0x91: {  	s18 =	sld [smem:$0x3FFB];
	_ =	sdelay $0x3  }
0x92: {  	_ =	strace s18  }
0x93: {  	s3 =	sld [smem:$0x3FFC];
	_ =	sdelay $0x3  }
0x94: {  	_ =	strace s3  }
0x95: {  	s3 =	sld [smem:$0x3FFD];
	_ =	sdelay $0x3  }
0x96: {  	_ =	strace s3  }
0x97: {  	_ =	strace $0x8FFFFFFF  }
0x98: {  	s19 =	sld [smem:$0x3FDB];
	_ =	sdelay $0x1  }
0x99: {  	s4 =	simm.s32 $_scs_section_size  }
0x9a: {  	s5 =	simm.s32 $_size__tile_overlayer_lowered;
	s6 =	simm.s32 $_tile_overlayer_lowered  }
0x9b: {  	s22 =	simm.s32 $0x1BFF;
	s21 =	sshll.u32 s6, $0x1;
	s3 =	sadd.s32 s4, s19  }
0x9c: {  	s7 =	simm.s32 $0x0;
	s20 =	sshll.u32 s5, $0x1;
	s5 =	sadd.s32 s21, s3  }
0x9d: {  	[timem:s7], [sflag:s22] =	dma.local [hbm:s5], s20  }
0x9e: {  	_ =	swait.ge [sflag:s22], s20  }
0x9f: {  	s4 =	ssub.s32 $0x0, s20;
	[sflag:s22] =	ssyncset.done $0x0  }
0xa0: {  	[sflag:s22] =	ssyncadd.s32 s4;
	_ =	sdelay $0x1  }
0xa1: {  	s23 =	simm.s32 $0x1B8B  }
0xa2: {  	_ =	swait.ge [sflag:s23], $0x1  }
0xa3: {  	[sflag:s23] =	ssyncset.done $0x0  }
0xa4: {  	s25 =	simm.s32 $0x1B8E;
	s24 =	sld [smem:$0x3FFE];
	[sflag:s23] =	ssyncadd.s32 $0xFFFFFFFF  }
0xa5: {  	s26 =	simm.s32 $execute0_lowered;
	[smem:$0x3FD2] =	sst s25  }
0xa6: {  	s5 =	sshll.u32 s26, $0x1;
	_ =	strace $0x80000046;
	[dreg:$0x1] =	wrdreg $0xFFFFFFFF  }
0xa7: {  	s28 =	simm.s32 $_size_execute0_lowered;
	s3 =	sadd.s32 s3, s5;
	[dreg:$0x0] =	wrdreg $0x0  }
0xa8: {  	s5 =	sshll.u32 s28, $0x1;
	[dreg:$0x2] =	wrdreg s3  }
0xa9: {  	[dreg:$0x3] =	wrdreg s5  }
0xaa: {  	[dreg:$0x4] =	wrdreg $0xC0  }
0xab: {  	_ =	task [dreg:s7], $0x5FFFF  }
0xac: {  	[dreg:$0x1] =	wrdreg $0xFFFFFFFF  }
0xad: {  	[dreg:$0x0] =	wrdreg $0x60  }
0xae: {  	[dreg:$0x2] =	wrdreg s2  }
0xaf: {  	[dreg:$0x3] =	wrdreg s24  }
0xb0: {  	[dreg:$0x4] =	wrdreg $0x9  }
0xb1: {  	_ =	task.clear_ibuf [dreg:s7], $0x5FFFF;
	_ =	strace $0x90000046  }
0xb2: {  	s29 =	simm.s32 $0x9;
	_ =	strace $0x80000048  }
0xb3: {  	_ =	swait.ge [sflag:s29], $0x1  }
0xb4: {  	[sflag:s29] =	ssyncadd.s32 $0xFFFFFFFF  }
0xb5: {  	_ =	strace $0x90000048  }
0xb6: {  	_ =	sfence  }
0xb7: {  	s30 =	sld [smem:$0x0];
	_ =	sdelay $0x2  }
0xb8: {  	s31 =	sshll.u32 s1, $0xD;
	s1 =	sshrl.u32 s1, $0x2  }
0xb9: {  	s3 =	sand.u32 $0x4000, s31;
	s1 =	sadd.s32 s1, s30  }
0xba: {  	s0 =	sor.u32 s3, s0;
	s1 =	sshll.u32 s1, $0x11  }
0xbb: {  	s0 =	sor.u32 s1, s0  }
0xbc: {  	s0 =	sadd.s32 $0x8F2B, s0  }
0xbd: {  	[sflag:s0] =	ssyncadd.remote.s32 $0x1  }
0xbe: {  	_ =	sfence.sel $0xFFFF  }
0xbf: {  	[dreg:$0x0] =	wrdreg $0xFFFFFFFF;
	(pc) =	sbr.abs _section_cstart, $3  }
0xc0: {  	[dreg:$0x1] =	wrdreg $0xFFFFFFFF  }
0xc1: {  	_ =	task.clear_ibuf [dreg:s7], $0x2FFFF;
	_ =	strace $0x9FFFFFFF  }
0xc2: {  	(tm) =	ssettm $0x7FFFFFFF  }
0xc3: {  	_ =	shalt  }
tec
execute0_lowered:
.L_overlay_start_1:
0x0: {  	(tag) =	ssettag $0x1  }
0x1: {  	s1 =	srdreg.scid;
	s4 =	rddreg [dreg:$0x0]  }
0x2: {  	s0 =	stileid.u32;
	s6 =	rddreg [dreg:$0x1]  }
0x3: {  	s2 =	simm.s32 $0x0;
	s10 =	simm.s32 $0x400;
	s11 =	simm.s32 $0x0  }
0x4: {  	s3 =	sand.u32 $0x1, s1;
	s26 =	sshrl.u32 s0, $0x3;
	s29 =	smul.u32 $0x30, s0  }
0x5: {  	s1 =	rddreg [dreg:$0x2];
	s8 =	sshll.u32 s0, $0x7;
	s5 =	smul.u32 $0x27800, s3  }
0x6: {  	[smem:$0x7FF] =	sst s2;
	s7 =	smul.u32 $0x13C00, s26;
	s28 =	sand.u32 $0x380, s8  }
0x7: {  	_ =	strace $0x80000047;
	s8 =	smul.u32 $0x70, s0;
	s9 =	ssub.s32 $0x2, s3  }
0x8: {  	p0 =	seq.s32 s3, $0x0;
	s3 =	simm.s32 $0x70;
	s30 =	sshrl.u32 s9, $0x1  }
0x9: {  	s3 =	simm.s32 @!p0 $0x30;
	s5 =	sadd.s32 s5, s7;
	s7 =	sadd.s32 $0x700, s29  }
0xa: {  	s31 =	ssub.s32 s9, s30;
	s5 =	sor.u32 s28, s5;
	s7 =	smov.u32 @p0 s8  }
0xb: {  	s9 =	simm.s32 $0x80;
	s5 =	sshrl.u32 s5, $0x3;
	s7 =	sshll.u32 s7, $0x4  }
0xc: {  	s8 =	simm.s32 $0x3800;
	s5 =	sadd.s32 s5, s6;
	s4 =	sadd.s32 s4, s7  }
0xd: {  	v0 =	vimm.f32 $0.0e+00;
	v1 =	vimm.f32 $1.000000000e+00;
	s6 =	smax.u32 s31, $0x1;
	s7 =	simm.s32 $0x1;
	s5 =	sadd.s32 $0x1400, s5  }
.LBB2_1:
0xe: {  	[tilespmem:s2], [sflag:$0x1] =	stream.linear.gather [hbm4b:s4+s2], $0x3800, $0x38;
	[tilespmem:$0x5F80] =	vst v63  }
0xf: {  	_ =	swait.ge [sflag:s7], $0x3800  }
0x10: {  	[sflag:s7] =	ssyncset.done $0x0  }
0x11: {  	s12 =	simm.s32 $0x0;
	[sflag:s7] =	ssyncadd.s32 $0xFFFFC800  }
.LBB2_2:
0x12: {  	p0 =	sne.s32 s12, $0x9DC0  }
.Ltmp0:
0x13: {  	_ = 	snop;
	(pc) =	sbr.rel @p0 .LBB2_2-.Ltmp0, $3  }
0x14: {  	_ =	sdelay $0x1  }
0x15: {  	s13 =	sshra.s32 s12, $0x2  }
0x16: {  	s12 =	sadd.s32 $0x40, s12;
	[tilespmem:s13+$0x3800] =	vst v0  }
0x17: {  	s12 =	simm.s32 $0x40;
	s13 =	smov.u32 s3  }
.LBB2_4:
0x18: {  	v2 =	vld [tilespmem:s12+$0xFFFFFFC0];
	_ =	sdelay $0x7  }
0x19: {  	[tilespmem:v2+s8+$0x0] =	vst.idx.add.f32.msk $0xffff, v1  }
0x1a: {  	v2 =	vld [tilespmem:s12+$0xFFFFFFD0];
	_ =	sdelay $0x7  }
0x1b: {  	[tilespmem:v2+s8+$0x0] =	vst.idx.add.f32.msk $0xffff, v1  }
0x1c: {  	v2 =	vld [tilespmem:s12+$0xFFFFFFE0];
	_ =	sdelay $0x7  }
0x1d: {  	[tilespmem:v2+s8+$0x0] =	vst.idx.add.f32.msk $0xffff, v1  }
0x1e: {  	v2 =	vld [tilespmem:s12+$0xFFFFFFF0];
	_ =	sdelay $0x7  }
0x1f: {  	[tilespmem:v2+s8+$0x0] =	vst.idx.add.f32.msk $0xffff, v1  }
0x20: {  	v2 =	vld [tilespmem:s12+$0x0];
	_ =	sdelay $0x7  }
0x21: {  	[tilespmem:v2+s8+$0x0] =	vst.idx.add.f32.msk $0xffff, v1  }
0x22: {  	v2 =	vld [tilespmem:s12+$0x10];
	_ =	sdelay $0x7  }
0x23: {  	[tilespmem:v2+s8+$0x0] =	vst.idx.add.f32.msk $0xffff, v1  }
0x24: {  	v2 =	vld [tilespmem:s12+$0x20];
	_ =	sdelay $0x7  }
0x25: {  	[tilespmem:v2+s8+$0x0] =	vst.idx.add.f32.msk $0xffff, v1  }
0x26: {  	v2 =	vld [tilespmem:s12+$0x30];
	_ =	sdelay $0x2  }
0x27: {  	p0 =	sne.s32 s13, $0x1  }
.Ltmp1:
0x28: {  	_ = 	snop;
	(pc) =	sbr.rel @p0 .LBB2_4-.Ltmp1, $2  }
0x29: {  	_ =	sdelay $0x2  }
0x2a: {  	s13 =	sadd.s32 $0xFFFFFFFF, s13;
	s12 =	sadd.s32 $0x80, s12;
	[tilespmem:v2+s8+$0x0] =	vst.idx.add.f32.msk $0xffff, v1  }
0x2b: {  	s11 =	sadd.s32 $0x1, s11  }
0x2c: {  	p0 =	sne.s32 s11, s6  }
.Ltmp2:
0x2d: {  	_ = 	snop;
	(pc) =	sbr.rel @p0 .LBB2_1-.Ltmp2, $4  }
0x2e: {  	[hbm4b:s5+s9] =	stream.strided.scatter [tilespmem:s8], [sflag:$0x1], $0x2780, s10, s9, $0x38;
	[tilespmem:$0x5F80] =	vst v63  }
0x2f: {  	_ =	swait.ge [sflag:s7], $0x2780  }
0x30: {  	[sflag:s7] =	ssyncset.done $0x0  }
0x31: {  	[sflag:s7] =	ssyncadd.s32 $0xFFFFD880  }
0x32: {  	_ =	sfence.sel $0x180000  }
0x33: {  	[bflag:$0x0] =	sbarrier.arrive $0xFFFF  }
0x34: {  	p0 =	sne.s32 s0, $0x0;
	_ =	strace $0x90000047  }
0x35: {  	s0 =	sadd.s32 @!p0 $0x100000, s1;
	[bflag:$0x2] =	sbarrier.arrive $0xFFFF  }
0x36: {  	[sflag:s0] =	ssyncadd.tile.s32 @!p0 $0x1;
	_ =	shalt  }
.Lfunc_end2:
_tile_overlayer_lowered:
.L_overlay_start_2:
0x37: {  	(tag) =	ssettag $0x2  }
0x38: {  	s0 =	rddreg [dreg:$0x0];
	s2 =	stileid.u32  }
0x39: {  	s1 =	rddreg [dreg:$0x1];
	p0 =	sne.s32 s2, $0x0  }
0x3a: {  	s3 =	rddreg [dreg:$0x2];
	[bflag:$0x3] =	sbarrier.arrive $0xFFFF;
	s2 =	simm.s32 @!p0 $0x1C01  }
0x3b: {  	[timem:s3], [sflag:s2] =	dma.local @!p0 [hbm:s0], s1  }
0x3c: {  	s0 =	simm.s32 @!p0 $0x1  }
0x3d: {  	_ =	swait.ge @!p0 [sflag:s0], s1  }
0x3e: {  	s1 =	ssub.s32 @!p0 $0x0, s1;
	[sflag:s0] =	ssyncset.done @!p0 $0x0  }
0x3f: {  	[sflag:s0] =	ssyncadd.s32 @!p0 s1  }
0x40: {  	[bflag:$0x3] =	sbarrier.arrive $0xFFFF  }
0x41: {  	_ =	shalt  }

// kernel: kernel.9.cloned.1.call-start
scs
__scs_entry_jumppad:
0x0: {  	(pc) =	sbr.rel $0x88, $3  }
0x1: {  	(tag) =	ssettag $0x0;
	lr =	simm.s32 $0x1  }
0x2: {  	[smem:$0x3F9C] =	sst lr;
	_ =	strace $0xD0000000  }
0x3: {  	_ = 	snop  }
0x4: {  	_ = 	snop  }
0x5: {  	_ = 	snop  }
0x6: {  	_ = 	snop  }
0x7: {  	_ = 	snop  }
__scs_overlays_trampoline_lowered:
0x8: {  	[smem:$0x3FAB] =	sst s0  }
0x9: {  	[smem:$0x3FAC] =	sst s1  }
0xa: {  	[smem:$0x3FAD] =	sst s2  }
0xb: {  	[smem:$0x3FAE] =	sst s3  }
0xc: {  	[smem:$0x3FAF] =	sst s4  }
0xd: {  	[smem:$0x3FB0] =	sst s5  }
0xe: {  	[smem:$0x3FB1] =	sst s6  }
0xf: {  	[smem:$0x3FB2] =	sst s7  }
0x10: {  	[smem:$0x3FB3] =	sst s8  }
0x11: {  	[smem:$0x3FB4] =	sst s9;
	s0 =	simm.s32 @!p0 $0x0  }
0x12: {  	s1 =	sld [smem:$0x3F9A];
	s0 =	simm.s32 @p0 $0x1  }
0x13: {  	[smem:$0x3FB5] =	sst s0;
	s0 =	simm.s32 @!p1 $0x0  }
0x14: {  	s2 =	sld [smem:$0x3F99];
	s0 =	simm.s32 @p1 $0x1  }
0x15: {  	[smem:$0x3FB6] =	sst s0;
	s0 =	simm.s32 @!p2 $0x0  }
0x16: {  	s3 =	sld [smem:$0x3FDB];
	s0 =	simm.s32 @p2 $0x1  }
0x17: {  	s4 =	simm.s32 $0x1BF5;
	[smem:$0x3FB8] =	sst s0  }
0x18: {  	s0 =	sld [smem:$0x3F9B];
	_ =	swait.ge [sflag:s4], $0x0  }
0x19: {  	s7 =	sld [smem:$0x3F9C]  }
0x1a: {  	s8 =	sadd.s32 $0xFFFFE003, lr  }
0x1b: {  	s9 =	sadd.s32 $0xFFFFFEF7, lr;
	s5 =	simm.s32 $0xFFFFFFFF;
	p2 =	slt.u32 s8, $0xFFFFF086  }
0x1c: {  	p1 =	slt.u32 s9, $0xF7A;
	s5 =	simm.s32 @!p2 $0x0  }
0x1d: {  	s5 =	simm.s32 @p1 $0x1;
	p0 =	seq.s32 s7, s2  }
0x1e: {  	s7 =	smul.u32 @!p0 $0xF7A, s2;
	p2 =	seq.s32 @!p0 s5, $0x0  }
0x1f: {  	s9 =	smul.u32 $0xF7A, s1;
	s8 =	simm.s32 @!p0 $0x1BF5;
	p2 =	por !p2, p0  }
0x20: {  	[sflag:s8] =	ssyncset.s32 @!p0 $0xFFFFF086;
	s6 =	sadd.s32 @!p0 s3, s7;
	s7 =	simm.s32 @!p0 $0x108  }
0x21: {  	s3 =	sadd.s32 s3, s9;
	s6 =	sadd.s32 @!p0 $0x88, s6;
	s7 =	simm.s32 @p2 $0x1082  }
0x22: {  	[simem:s7], [sflag:s8] =	dma.local @!p0 [hbm:s6], $0xF7A  }
0x23: {  	s9 =	sor.u32 $0xD0000000, s2;
	s6 =	simm.s32 $0x108;
	_ =	swait.ge @!p0 [sflag:s8], $0x0  }
0x24: {  	s3 =	sadd.s32 $0x88, s3;
	s6 =	simm.s32 @!p1 $0x1082;
	[sflag:s4] =	ssyncset.s32 $0xFFFFF086  }
0x25: {  	[simem:s6], [sflag:s4] =	dma.local [hbm:s3], $0xF7A  }
0x26: {  	[smem:$0x3F9C] =	sst s1;
	(tag) =	ssettag s2;
	_ =	strace s9  }
0x27: {  	s1 =	sld [smem:$0x3FAC]  }
0x28: {  	s2 =	sld [smem:$0x3FAD]  }
0x29: {  	s4 =	sld [smem:$0x3FAF]  }
0x2a: {  	p0 =	seq.s32 s5, $0x0;
	s5 =	sld [smem:$0x3FB0]  }
0x2b: {  	s6 =	sld [smem:$0x3FB1]  }
0x2c: {  	s7 =	sld [smem:$0x3FB2]  }
0x2d: {  	s3 =	simm.s32 $0x108;
	s8 =	sld [smem:$0x3FB3]  }
0x2e: {  	s3 =	simm.s32 @!p0 $0x1082;
	s9 =	sld [smem:$0x3FB4]  }
0x2f: {  	lr =	sadd.s32 s0, s3;
	s0 =	sld [smem:$0x3FAB]  }
0x30: {  	s3 =	sld [smem:$0x3FAE]  }
0x31: {  	[smem:$0x3FB7] =	sst s10  }
0x32: {  	s10 =	sld [smem:$0x3FB5];
	_ =	sdelay $0x3  }
0x33: {  	p0 =	seq.s32 s10, $0x1;
	s10 =	sld [smem:$0x3FB7];
	_ =	sdelay $0x3  }
0x34: {  	[smem:$0x3FB7] =	sst s10  }
0x35: {  	s10 =	sld [smem:$0x3FB6];
	_ =	sdelay $0x3  }
0x36: {  	p1 =	seq.s32 s10, $0x1;
	s10 =	sld [smem:$0x3FB7];
	_ =	sdelay $0x3  }
0x37: {  	[smem:$0x3FB7] =	sst s10  }
0x38: {  	s10 =	sld [smem:$0x3FB8]  }
0x39: {  	_ = 	snop;
	(pc) =	sbr.ind lr, $3  }
0x3a: {  	_ = 	snop  }
0x3b: {  	_ = 	snop  }
0x3c: {  	p2 =	seq.s32 s10, $0x1;
	s10 =	sld [smem:$0x3FB7]  }
0x3d: {  	_ =	shalt  }
0x3e: {  	_ =	shalt  }
0x3f: {  	_ =	shalt  }
0x40: {  	_ =	shalt  }
0x41: {  	_ =	shalt  }
0x42: {  	_ =	shalt  }
0x43: {  	_ =	shalt  }
0x44: {  	_ =	shalt  }
0x45: {  	_ =	shalt  }
0x46: {  	_ =	shalt  }
0x47: {  	_ =	shalt  }
0x48: {  	_ =	shalt  }
0x49: {  	_ =	shalt  }
0x4a: {  	_ =	shalt  }
0x4b: {  	_ =	shalt  }
0x4c: {  	_ =	shalt  }
0x4d: {  	_ =	shalt  }
0x4e: {  	_ =	shalt  }
0x4f: {  	_ =	shalt  }
0x50: {  	_ =	shalt  }
0x51: {  	_ =	shalt  }
0x52: {  	_ =	shalt  }
0x53: {  	_ =	shalt  }
0x54: {  	_ =	shalt  }
0x55: {  	_ =	shalt  }
0x56: {  	_ =	shalt  }
0x57: {  	_ =	shalt  }
0x58: {  	_ =	shalt  }
0x59: {  	_ =	shalt  }
0x5a: {  	_ =	shalt  }
0x5b: {  	_ =	shalt  }
0x5c: {  	_ =	shalt  }
0x5d: {  	_ =	shalt  }
0x5e: {  	_ =	shalt  }
0x5f: {  	_ =	shalt  }
0x60: {  	_ =	shalt  }
0x61: {  	_ =	shalt  }
0x62: {  	_ =	shalt  }
0x63: {  	_ =	shalt  }
0x64: {  	_ =	shalt  }
0x65: {  	_ =	shalt  }
0x66: {  	_ =	shalt  }
0x67: {  	_ =	shalt  }
0x68: {  	_ =	shalt  }
0x69: {  	_ =	shalt  }
0x6a: {  	_ =	shalt  }
0x6b: {  	_ =	shalt  }
0x6c: {  	_ =	shalt  }
0x6d: {  	_ =	shalt  }
0x6e: {  	_ =	shalt  }
0x6f: {  	_ =	shalt  }
0x70: {  	_ =	shalt  }
0x71: {  	_ =	shalt  }
0x72: {  	_ =	shalt  }
0x73: {  	_ =	shalt  }
0x74: {  	_ =	shalt  }
0x75: {  	_ =	shalt  }
0x76: {  	_ =	shalt  }
0x77: {  	_ =	shalt  }
0x78: {  	_ =	shalt  }
0x79: {  	_ =	shalt  }
0x7a: {  	_ =	shalt  }
0x7b: {  	_ =	shalt  }
0x7c: {  	_ =	shalt  }
0x7d: {  	_ =	shalt  }
0x7e: {  	_ =	shalt  }
0x7f: {  	_ =	shalt  }
0x80: {  	_ =	shalt  }
0x81: {  	_ =	shalt  }
0x82: {  	_ =	shalt  }
0x83: {  	_ =	shalt  }
0x84: {  	_ =	shalt  }
0x85: {  	_ =	shalt  }
0x86: {  	_ =	shalt  }
0x87: {  	_ =	shalt  }
.Lfunc_end0:
.L_simem_size_0:
called_computation.1_lowered:
.L_overlay_start_0:
0x88: {  	s2 =	sld [smem:$0x3FD9]  }
0x89: {  	s3 =	sld [smem:$0x3FFE];
	_ =	sdelay $0x1  }
0x8a: {  	s1 =	srdreg.scid  }
0x8b: {  	s0 =	sand.u32 $0x1, s1  }
0x8c: {  	s17 =	sshll.u32 s0, $0xA;
	s2 =	sadd.s32 s3, s2  }
0x8d: {  	s2 =	sadd.s32 s2, s17  }
0x8e: {  	[smem:$0x3FC3] =	sst s2  }
0x8f: {  	_ = 	snop  }
0x90: {  	s2 =	sld [smem:$0x3FD0];
	(tm) =	ssettm $0x1  }
0x91: {  	s18 =	sld [smem:$0x3FFB];
	_ =	sdelay $0x3  }
0x92: {  	_ =	strace s18  }
0x93: {  	s3 =	sld [smem:$0x3FFC];
	_ =	sdelay $0x3  }
0x94: {  	_ =	strace s3  }
0x95: {  	s3 =	sld [smem:$0x3FFD];
	_ =	sdelay $0x3  }
0x96: {  	_ =	strace s3  }
0x97: {  	_ =	strace $0x8FFFFFFF  }
0x98: {  	s19 =	sld [smem:$0x3FDB];
	_ =	sdelay $0x1  }
0x99: {  	s4 =	simm.s32 $_scs_section_size  }
0x9a: {  	s5 =	simm.s32 $_size__tile_overlayer_lowered;
	s6 =	simm.s32 $_tile_overlayer_lowered  }
0x9b: {  	s22 =	simm.s32 $0x1BFF;
	s21 =	sshll.u32 s6, $0x1;
	s3 =	sadd.s32 s4, s19  }
0x9c: {  	s7 =	simm.s32 $0x0;
	s20 =	sshll.u32 s5, $0x1;
	s5 =	sadd.s32 s21, s3  }
0x9d: {  	[timem:s7], [sflag:s22] =	dma.local [hbm:s5], s20  }
0x9e: {  	_ =	swait.ge [sflag:s22], s20  }
0x9f: {  	s4 =	ssub.s32 $0x0, s20;
	[sflag:s22] =	ssyncset.done $0x0  }
0xa0: {  	[sflag:s22] =	ssyncadd.s32 s4;
	_ =	sdelay $0x1  }
0xa1: {  	s23 =	simm.s32 $0x1B8B  }
0xa2: {  	_ =	swait.ge [sflag:s23], $0x1  }
0xa3: {  	[sflag:s23] =	ssyncset.done $0x0  }
0xa4: {  	s25 =	simm.s32 $0x1B8E;
	s24 =	sld [smem:$0x3FFE];
	[sflag:s23] =	ssyncadd.s32 $0xFFFFFFFF  }
0xa5: {  	s26 =	simm.s32 $execute0_lowered;
	[smem:$0x3FD2] =	sst s25  }
0xa6: {  	s5 =	sshll.u32 s26, $0x1;
	_ =	strace $0x80000049;
	[dreg:$0x1] =	wrdreg $0xFFFFFFFF  }
0xa7: {  	s28 =	simm.s32 $_size_execute0_lowered;
	s3 =	sadd.s32 s3, s5;
	[dreg:$0x0] =	wrdreg $0x0  }
0xa8: {  	s5 =	sshll.u32 s28, $0x1;
	[dreg:$0x2] =	wrdreg s3  }
0xa9: {  	[dreg:$0x3] =	wrdreg s5  }
0xaa: {  	[dreg:$0x4] =	wrdreg $0xC0  }
0xab: {  	_ =	task [dreg:s7], $0x5FFFF  }
0xac: {  	[dreg:$0x1] =	wrdreg $0xFFFFFFFF  }
0xad: {  	[dreg:$0x0] =	wrdreg $0x60  }
0xae: {  	[dreg:$0x2] =	wrdreg s2  }
0xaf: {  	[dreg:$0x3] =	wrdreg s24  }
0xb0: {  	[dreg:$0x4] =	wrdreg $0xB0000  }
0xb1: {  	[dreg:$0x5] =	wrdreg $0x9  }
0xb2: {  	_ =	task.clear_ibuf [dreg:s7], $0x6FFFF;
	_ =	strace $0x90000049  }
0xb3: {  	s29 =	simm.s32 $0x9;
	_ =	strace $0x8000004B  }
0xb4: {  	_ =	swait.ge [sflag:s29], $0x1  }
0xb5: {  	[sflag:s29] =	ssyncadd.s32 $0xFFFFFFFF  }
0xb6: {  	_ =	strace $0x9000004B  }
0xb7: {  	_ =	sfence  }
0xb8: {  	s30 =	sld [smem:$0x0];
	_ =	sdelay $0x2  }
0xb9: {  	s31 =	sshll.u32 s1, $0xD;
	s1 =	sshrl.u32 s1, $0x2  }
0xba: {  	s3 =	sand.u32 $0x4000, s31;
	s1 =	sadd.s32 s1, s30  }
0xbb: {  	s0 =	sor.u32 s3, s0;
	s1 =	sshll.u32 s1, $0x11  }
0xbc: {  	s0 =	sor.u32 s1, s0  }
0xbd: {  	s0 =	sadd.s32 $0x8F2B, s0  }
0xbe: {  	[sflag:s0] =	ssyncadd.remote.s32 $0x1  }
0xbf: {  	_ =	sfence.sel $0xFFFF  }
0xc0: {  	[dreg:$0x0] =	wrdreg $0xFFFFFFFF;
	(pc) =	sbr.abs _section_cstart, $3  }
0xc1: {  	[dreg:$0x1] =	wrdreg $0xFFFFFFFF  }
0xc2: {  	_ =	task.clear_ibuf [dreg:s7], $0x2FFFF;
	_ =	strace $0x9FFFFFFF  }
0xc3: {  	(tm) =	ssettm $0x7FFFFFFF  }
tec
execute0_lowered:
.L_overlay_start_1:
0x0: {  	(tag) =	ssettag $0x1  }
0x1: {  	s0 =	rddreg [dreg:$0x0]  }
0x2: {  	s6 =	rddreg [dreg:$0x1]  }
0x3: {  	s1 =	srdreg.scid;
	s2 =	stileid.u32  }
0x4: {  	s3 =	rddreg [dreg:$0x2];
	s4 =	simm.s32 $0x0;
	s7 =	smul.u32 $0x13C00, s2  }
0x5: {  	s15 =	simm.s32 $0x7000;
	s16 =	simm.s32 $0x1;
	s10 =	smul.u32 $0x3000, s2  }
0x6: {  	s11 =	sand.u32 $0x1, s1;
	s1 =	rddreg [dreg:$0x3];
	s13 =	smul.u32 $0xE00, s2  }
0x7: {  	s17 =	simm.s32 $0x0;
	[smem:$0x7FF] =	sst s4;
	s14 =	smul.u32 $0x4F000, s2  }
0x8: {  	s8 =	sadd.s32 $0xB200, s6;
	s31 =	sshll.u32 s2, $0x6;
	s5 =	smul.u32 $0x13C000, s11  }
0x9: {  	_ =	strace $0x8000004A;
	s26 =	ssub.s32 $0x2, s11;
	p0 =	seq.s32 s11, $0x0  }
0xa: {  	s12 =	sshrl.u32 s26, $0x1;
	s10 =	sshrl.u32 s10, $0x3;
	s29 =	sshrl.u32 s14, $0x2  }
0xb: {  	s14 =	simm.s32 $0x80;
	s7 =	sadd.s32 s7, s5;
	s5 =	sadd.s32 $0x1400, s6  }
0xc: {  	s12 =	ssub.s32 s26, s12;
	s28 =	sadd.s32 s8, s10;
	s8 =	sadd.s32 s8, s13  }
0xd: {  	s30 =	sadd.s32 s29, s3;
	s13 =	simm.s32 $0x2;
	s7 =	sshrl.u32 s7, $0x3  }
0xe: {  	s10 =	smax.u32 s12, $0x1;
	s9 =	sadd.s32 s7, s6;
	s6 =	simm.s32 $0x70  }
0xf: {  	s12 =	sshrl.u32 s30, $0x3;
	s7 =	sadd.s32 $0xE000, s28;
	s6 =	simm.s32 @!p0 $0x30  }
0x10: {  	s9 =	sadd.s32 $0x1F200, s9;
	p0 =	sne.s32 s11, $0x0;
	s11 =	sor.u32 $0x1C02, s31  }
.LBB2_1:
0x11: {  	s18 =	simm.s32 @p0 $0x0  }
0x12: {  	[tilespmem:s18], [sflag:$0x2] =	stream.linear.gather @p0 [hbm4b:s7+s18], $0x3000, $0x38;
	[tilespmem:$0x1EC00] =	vst v63  }
0x13: {  	s18 =	simm.s32 @p0 $0x2  }
0x14: {  	_ =	swait.ge @p0 [sflag:s18], $0x3000  }
0x15: {  	[sflag:s18] =	ssyncset.done @p0 $0x0  }
0x16: {  	[sflag:s18] =	ssyncadd.s32 @p0 $0xFFFFD000;
	s18 =	simm.s32 @!p0 $0x0  }
0x17: {  	[tilespmem:s18], [sflag:$0x2] =	stream.linear.gather @!p0 [hbm4b:s8+s18], $0x7000, $0x38;
	[tilespmem:$0x1EC00] =	vst v63  }
0x18: {  	s18 =	simm.s32 @!p0 $0x2  }
0x19: {  	_ =	swait.ge @!p0 [sflag:s18], $0x7000  }
0x1a: {  	[sflag:s18] =	ssyncset.done @!p0 $0x0  }
0x1b: {  	[sflag:s18] =	ssyncadd.s32 @!p0 $0xFFFF9000  }
0x1c: {  	[spmem:s12], [sflag:s11] =	dma.local [hbm:s5], $0x2780  }
0x1d: {  	_ =	swait.ge [sflag:s13], $0x2780  }
0x1e: {  	[sflag:s13] =	ssyncset.done $0x0  }
0x1f: {  	[sflag:s13] =	ssyncadd.s32 $0xFFFFD880  }
0x20: {  	[bflag:$0x0] =	sbarrier.arrive $0xFFFF  }
0x21: {  	[tilespmem:s15], [sflag:$0x1] =	stream.indirect.gather [hbm4b:s0+s14], $0x80, s4, s14, $0xb8;
	[tilespmem:$0x1EC00] =	vst v63  }
0x22: {  	p1 =	sne.s32 s6, $0x1;
	_ =	swait.ge [sflag:s16], $0x4000  }
.Ltmp0:
0x23: {  	[sflag:s16] =	ssyncset.done $0x0;
	(pc) =	sbr.rel @!p1 .LBB2_3-.Ltmp0, $4  }
0x24: {  	s31 =	simm.s32 $0x80;
	[sflag:s16] =	ssyncadd.s32 $0xFFFFC000  }
0x25: {  	[spmem:s3] =	stream.indirect.scatter.add.f32 [tilespmem:s15], [sflag:$0x2], $0x80, s31, s14, $0xb8;
	[tilespmem:$0x1EC00] =	vst v63  }
0x26: {  	_ =	swait.ge [sflag:s13], $0x4000  }
0x27: {  	s19 =	simm.s32 $0x0;
	s18 =	sadd.s32 $0xFFFFFFFF, s6;
	[sflag:s13] =	ssyncset.done $0x0  }
.LBB2_2:
0x28: {  	p1 =	sne.s32 s18, $0x1;
	[sflag:s13] =	ssyncadd.s32 $0xFFFFC000;
	s19 =	sadd.s32 $0x100, s19  }
0x29: {  	[tilespmem:s15], [sflag:$0x1] =	stream.indirect.gather [hbm4b:s0+s14], $0x80, s19, s14, $0xb8;
	[tilespmem:$0x1EC00] =	vst v63  }
0x2a: {  	s18 =	sadd.s32 $0xFFFFFFFF, s18;
	_ =	swait.ge [sflag:s16], $0x4000  }
.Ltmp1:
0x2b: {  	[sflag:s16] =	ssyncset.done $0x0;
	(pc) =	sbr.rel @p1 .LBB2_2-.Ltmp1, $4  }
0x2c: {  	s20 =	sadd.s32 $0x80, s19;
	[sflag:s16] =	ssyncadd.s32 $0xFFFFC000  }
0x2d: {  	[spmem:s3] =	stream.indirect.scatter.add.f32 [tilespmem:s15], [sflag:$0x2], $0x80, s20, s14, $0xb8;
	[tilespmem:$0x1EC00] =	vst v63  }
0x2e: {  	_ =	swait.ge [sflag:s13], $0x4000  }
0x2f: {  	[sflag:s13] =	ssyncset.done $0x0  }
.LBB2_3:
0x30: {  	s17 =	sadd.s32 $0x1, s17  }
0x31: {  	[sflag:s13] =	ssyncadd.s32 $0xFFFFC000;
	p1 =	sne.s32 s17, s10  }
.Ltmp2:
0x32: {  	[bflag:$0x0] =	sbarrier.arrive $0xFFFF;
	(pc) =	sbr.rel @p1 .LBB2_1-.Ltmp2, $4  }
0x33: {  	[hbm:s9], [sflag:s11] =	dma.local [spmem:s12], $0x2780  }
0x34: {  	_ =	swait.ge [sflag:s13], $0x2780  }
0x35: {  	[sflag:s13] =	ssyncset.done $0x0  }
0x36: {  	[sflag:s13] =	ssyncadd.s32 $0xFFFFD880  }
0x37: {  	_ =	sfence.sel $0x180000  }
0x38: {  	[bflag:$0x0] =	sbarrier.arrive $0xFFFF  }
0x39: {  	p0 =	sne.s32 s2, $0x0;
	_ =	strace $0x9000004A  }
0x3a: {  	s0 =	sadd.s32 @!p0 $0x100000, s1;
	[bflag:$0x2] =	sbarrier.arrive $0xFFFF  }
0x3b: {  	[sflag:s0] =	ssyncadd.tile.s32 @!p0 $0x1;
	_ =	shalt  }
.Lfunc_end2:
_tile_overlayer_lowered:
.L_overlay_start_2:
0x3c: {  	(tag) =	ssettag $0x2  }
0x3d: {  	s0 =	rddreg [dreg:$0x0];
	s2 =	stileid.u32  }
0x3e: {  	s1 =	rddreg [dreg:$0x1];
	p0 =	sne.s32 s2, $0x0  }
0x3f: {  	s3 =	rddreg [dreg:$0x2];
	[bflag:$0x3] =	sbarrier.arrive $0xFFFF;
	s2 =	simm.s32 @!p0 $0x1C02  }
0x40: {  	[timem:s3], [sflag:s2] =	dma.local @!p0 [hbm:s0], s1  }
0x41: {  	s0 =	simm.s32 @!p0 $0x2  }
0x42: {  	_ =	swait.ge @!p0 [sflag:s0], s1  }
0x43: {  	s1 =	ssub.s32 @!p0 $0x0, s1;
	[sflag:s0] =	ssyncset.done @!p0 $0x0  }
0x44: {  	[sflag:s0] =	ssyncadd.s32 @!p0 s1  }
0x45: {  	[bflag:$0x3] =	sbarrier.arrive $0xFFFF  }
0x46: {  	_ =	shalt  }

</sc_bundles>
